<compile_context>
chip_gen: v7x
topology: tpu7x:2x2x1
jax: 0.10.2.dev20260603
libtpu: 0.0.44.dev20260713+nightly
codegen_flags: <defaults>
</compile_context>

<pallas_src>
import functools
import jax
import jax.numpy as jnp
from jax import lax
from jax.experimental import pallas as pl
from jax.experimental.pallas import tpu as pltpu
from jax.experimental.pallas import tpu_sc as plsc

N = 10000
E = 320000
D = 128
H = 128
C = 16
G = 64

NPAD = 10112
RPT = NPAD // 16
NTILES = 32
CHUNK = 128
EPT_CH = 79
EPT = EPT_CH * CHUNK
EPAD = EPT * NTILES

_MESH = plsc.VectorSubcoreMesh(core_axis_name="c", subcore_axis_name="s")


@functools.partial(
    pl.kernel,
    mesh=_MESH,
    out_type=jax.ShapeDtypeStruct((2, NPAD, D), jnp.float32),
    scratch_types=[
        pltpu.VMEM((EPT_CH, CHUNK), jnp.int32),
        pltpu.VMEM((EPT_CH, CHUNK), jnp.int32),
        pltpu.VMEM((CHUNK, D), jnp.float32),
        pltpu.VMEM_SHARED((NPAD, D), jnp.float32),
        pltpu.SemaphoreType.DMA,
    ],
)
def _sc_seg_sum(xa, srcp, dstp, zeros, out, sidx, didx, rows, acc, sem):
  c = lax.axis_index("c")
  s = lax.axis_index("s")
  wid = s * 2 + c
  pltpu.sync_copy(zeros, acc.at[pl.ds(s * RPT, RPT)])
  pltpu.sync_copy(srcp.at[wid], sidx)
  pltpu.sync_copy(dstp.at[wid], didx)
  plsc.subcore_barrier()

  def body(j, carry):
    pltpu.async_copy(xa.at[sidx.at[j]], rows, sem).wait()
    pltpu.sync_copy(rows, acc.at[didx.at[j]], add=True)
    return carry

  lax.fori_loop(0, EPT_CH, body, 0)
  plsc.subcore_barrier()
  pltpu.sync_copy(acc.at[pl.ds(s * RPT, RPT)], out.at[c, pl.ds(s * RPT, RPT)])


@functools.partial(
    pl.kernel,
    mesh=_MESH,
    out_type=jax.ShapeDtypeStruct((2, NPAD, D), jnp.float32),
    scratch_types=[
        pltpu.VMEM((EPT_CH, CHUNK), jnp.int32),
        pltpu.VMEM((CHUNK, D), jnp.float32),
        pltpu.VMEM_SHARED((NPAD, D), jnp.float32),
    ],
)
def _sc_degree(ones_hbm, dstp, zeros, out, didx, ones_v, acc):
  c = lax.axis_index("c")
  s = lax.axis_index("s")
  wid = s * 2 + c
  pltpu.sync_copy(zeros, acc.at[pl.ds(s * RPT, RPT)])
  pltpu.sync_copy(ones_hbm, ones_v)
  pltpu.sync_copy(dstp.at[wid], didx)
  plsc.subcore_barrier()

  def body(j, carry):
    pltpu.sync_copy(ones_v, acc.at[didx.at[j]], add=True)
    return carry

  lax.fori_loop(0, EPT_CH, body, 0)
  plsc.subcore_barrier()
  pltpu.sync_copy(acc.at[pl.ds(s * RPT, RPT)], out.at[c, pl.ds(s * RPT, RPT)])


BLK = 400
NBLK = N // BLK


def _tc1_body(p0, p1, dg0, dg1, x, wl, wr, b, h_ref, dinv_ref):
  deg = dg0[0, :, :1] + dg1[0, :, :1]
  dinv = 1.0 / jnp.maximum(deg, 1.0)
  mean = (p0[0] + p1[0]) * dinv
  h = jnp.dot(mean, wl[...], preferred_element_type=jnp.float32)
  h = h + jnp.dot(x[...], wr[...], preferred_element_type=jnp.float32)
  h = h + b[...]
  h_ref[...] = jnp.maximum(h, 0.0)
  dinv_ref[...] = jnp.broadcast_to(dinv, (BLK, 8))


def _tc2_body(q0, q1, h1, dinv, bat, wl, wr, b, wc, bc,
              out_ref, pool_scr, cnt_scr):
  i = pl.program_id(0)

  @pl.when(i == 0)
  def _():
    pool_scr[...] = jnp.zeros_like(pool_scr)
    cnt_scr[...] = jnp.zeros_like(cnt_scr)

  mean = (q0[0] + q1[0]) * dinv[...][:, :1]
  h = jnp.dot(mean, wl[...], preferred_element_type=jnp.float32)
  h = h + jnp.dot(h1[...], wr[...], preferred_element_type=jnp.float32)
  h = h + b[...]
  bv = bat[...].reshape(1, BLK)
  onehot = (lax.broadcasted_iota(jnp.int32, (G, BLK), 0) == bv
            ).astype(jnp.float32)
  pool_scr[...] += jnp.dot(onehot, h, preferred_element_type=jnp.float32)
  cnt_scr[...] += jnp.broadcast_to(
      jnp.sum(onehot, axis=1, keepdims=True), (G, D))

  @pl.when(i == NBLK - 1)
  def _():
    gmean = pool_scr[...] / jnp.maximum(cnt_scr[...], 1.0)
    out_ref[...] = jnp.dot(gmean, wc[...],
                           preferred_element_type=jnp.float32) + bc[...]


def _part_spec(core):
  return pl.BlockSpec((1, BLK, D), lambda i, core=core: (core, i, 0))


def _tc1(p, dg, x, wl, wr, b):
  return pl.pallas_call(
      _tc1_body,
      grid=(NBLK,),
      in_specs=[
          _part_spec(0),
          _part_spec(1),
          _part_spec(0),
          _part_spec(1),
          pl.BlockSpec((BLK, D), lambda i: (i, 0)),
          pl.BlockSpec((D, H), lambda i: (0, 0)),
          pl.BlockSpec((D, H), lambda i: (0, 0)),
          pl.BlockSpec((1, H), lambda i: (0, 0)),
      ],
      out_specs=[
          pl.BlockSpec((BLK, H), lambda i: (i, 0)),
          pl.BlockSpec((BLK, 8), lambda i: (i, 0)),
      ],
      out_shape=[
          jax.ShapeDtypeStruct((N, H), jnp.float32),
          jax.ShapeDtypeStruct((N, 8), jnp.float32),
      ],
  )(p, p, dg, dg, x, wl, wr, b)


def _tc2(q, h1, dinv, bat3, wl, wr, b, wc, bc):
  return pl.pallas_call(
      _tc2_body,
      grid=(NBLK,),
      in_specs=[
          _part_spec(0),
          _part_spec(1),
          pl.BlockSpec((BLK, H), lambda i: (i, 0)),
          pl.BlockSpec((BLK, 8), lambda i: (i, 0)),
          pl.BlockSpec((1, 1, BLK), lambda i: (i, 0, 0)),
          pl.BlockSpec((H, H), lambda i: (0, 0)),
          pl.BlockSpec((H, H), lambda i: (0, 0)),
          pl.BlockSpec((1, H), lambda i: (0, 0)),
          pl.BlockSpec((H, C), lambda i: (0, 0)),
          pl.BlockSpec((1, C), lambda i: (0, 0)),
      ],
      out_specs=pl.BlockSpec((G, C), lambda i: (0, 0)),
      out_shape=jax.ShapeDtypeStruct((G, C), jnp.float32),
      scratch_shapes=[
          pltpu.VMEM((G, D), jnp.float32),
          pltpu.VMEM((G, D), jnp.float32),
      ],
  )(q, q, h1, dinv, bat3, wl, wr, b, wc, bc)


def kernel(x, edge_index, batch, Wl1, Wr1, b1, Wl2, Wr2, b2, Wc, bc):
  f32 = jnp.float32
  pad_src = jnp.zeros((EPAD - E,), jnp.int32)
  pad_dst = jnp.full((EPAD - E,), N, jnp.int32)
  srcp = jnp.concatenate([edge_index[0], pad_src]).reshape(
      NTILES, EPT_CH, CHUNK)
  dstp = jnp.concatenate([edge_index[1], pad_dst]).reshape(
      NTILES, EPT_CH, CHUNK)
  zeros_d = jnp.zeros((RPT, D), f32)
  ones_d = jnp.ones((CHUNK, D), f32)

  dg = _sc_degree(ones_d, dstp, zeros_d)
  p = _sc_seg_sum(x, srcp, dstp, zeros_d)
  h1, dinv = _tc1(p, dg, x, Wl1, Wr1, b1.reshape(1, H))

  q = _sc_seg_sum(h1, srcp, dstp, zeros_d)
  bat3 = batch.reshape(NBLK, 1, BLK)
  return _tc2(q, h1, dinv, bat3,
              Wl2, Wr2, b2.reshape(1, H), Wc, bc.reshape(1, C))

# --- scband reference (transcript-rebuilt; emitter-appended) ---
"""Pipeline reference for scband-graph-sageclassifier-44152263803040 (READ-ONLY COPY).

The authoritative reference and input builder live on the scoring server;
editing this copy changes nothing except your own understanding.
"""

import jax, jax.numpy as jnp
import numpy as np

N = 10000
E = 320000
D = 128
H = 128
C = 16
G = 64


def _glorot(k, shape):
    lim = float(np.sqrt(6.0 / (shape[0] + shape[1])))
    return jax.random.uniform(k, shape, jnp.float32, -lim, lim)


def setup_inputs(seed: int = 0) -> dict:
    key = jax.random.key(seed)
    ks = jax.random.split(key, 11)
    x = jax.random.normal(ks[0], (N, D), dtype=jnp.float32)
    edge_index = jax.random.randint(ks[1], (2, E), 0, N, dtype=jnp.int32)
    batch = jnp.sort(jax.random.randint(ks[2], (N,), 0, G, dtype=jnp.int32))
    return {
        "x": x,
        "edge_index": edge_index,
        "batch": batch,
        "Wl1": _glorot(ks[3], (D, H)),
        "Wr1": _glorot(ks[4], (D, H)),
        "b1": jnp.zeros((H,), jnp.float32),
        "Wl2": _glorot(ks[5], (H, H)),
        "Wr2": _glorot(ks[6], (H, H)),
        "b2": jnp.zeros((H,), jnp.float32),
        "Wc": _glorot(ks[7], (H, C)),
        "bc": jnp.zeros((C,), jnp.float32),
    }


def _sage_conv(x, edge_index, Wl, Wr, b, n_nodes):
    # PyG SAGEConv (aggr='mean'): out = lin_l(mean_{j in N(i)} x_j) + lin_r(x_i)
    src = edge_index[0]
    dst = edge_index[1]
    msgs = jnp.take(x, src, axis=0)                                   # gather  [E, d]
    summed = jax.ops.segment_sum(msgs, dst, num_segments=n_nodes)      # scatter-add [N, d]
    deg = jax.ops.segment_sum(jnp.ones((msgs.shape[0],), jnp.float32), dst, num_segments=n_nodes)
    mean = summed / jnp.maximum(deg, 1.0)[:, None]
    return mean @ Wl + x @ Wr + b


def reference(x, edge_index, batch, Wl1, Wr1, b1, Wl2, Wr2, b2, Wc, bc):
    h = _sage_conv(x, edge_index, Wl1, Wr1, b1, N)
    h = jax.nn.relu(h)
    # dropout(p=0.5) is identity in eval mode
    h = _sage_conv(h, edge_index, Wl2, Wr2, b2, N)
    # global_mean_pool over batch assignment
    gsum = jax.ops.segment_sum(h, batch, num_segments=G)
    gcnt = jax.ops.segment_sum(jnp.ones((N,), jnp.float32), batch, num_segments=G)
    gmean = gsum / jnp.maximum(gcnt, 1.0)[:, None]
    return gmean @ Wc + bc

if __name__ == "__main__":
    import jax
    _d = setup_inputs()
    print(jax.jit(kernel)(*tuple(_d.values())))

</pallas_src>

<mosaic_0001>
#map = affine_map<(d0, d1) -> (0, 0)>
#map1 = affine_map<(d0, d1) -> (0, 0, 0)>
module attributes {stable_mosaic.version = 14 : i64} {
  func.func @_sc_seg_sum(%arg0: i32, %arg1: i32, %arg2: memref<10000x128xf32, #tpu.memory_space<hbm>>, %arg3: memref<32x79x128xi32, #tpu.memory_space<hbm>>, %arg4: memref<32x79x128xi32, #tpu.memory_space<hbm>>, %arg5: memref<632x128xf32, #tpu.memory_space<hbm>>, %arg6: memref<2x10112x128xf32, #tpu.memory_space<hbm>>, %arg7: memref<79x128xi32, #tpu.memory_space<vmem>>, %arg8: memref<79x128xi32, #tpu.memory_space<vmem>>, %arg9: memref<128x128xf32, #tpu.memory_space<vmem>>, %arg10: memref<10112x128xf32, #tpu.memory_space<vmem_shared>>, %arg11: memref<!tpu.dma_semaphore, #tpu.memory_space<semaphore_mem>>) attributes {dimension_semantics = [#tpu.dimension_semantics<core_parallel>, #tpu.dimension_semantics<subcore_parallel>], iteration_bounds = array<i64: 2, 16>, scalar_prefetch = 0 : i64, scratch_operands = 5 : i64, tpu.core_type = #tpu.core_type<sc_vector_subcore>, window_params = [{transform_indices = #map}, {transform_indices = #map1}, {transform_indices = #map1}, {transform_indices = #map}, {transform_indices = #map1}]} {
    %mul3A = arith.constant 2 : i32
    %mul3A_0 = arith.muli %arg1, %mul3A : i32
    %add3A = arith.addi %mul3A_0, %arg0 : i32
    %mul3A_1 = arith.constant 632 : i32
    %mul3A_2 = arith.muli %arg1, %mul3A_1 : i32
    "tpu.region"() ({
      %run_scoped3A = tpu.sem_alloc : memref<!tpu.dma_semaphore, #tpu.memory_space<semaphore_mem>>
      %dma_start3A = arith.constant 0 : i32
      %dma_start3A_13 = tpu.memref_slice %arg10[%mul3A_2, %dma_start3A] : memref<10112x128xf32, #tpu.memory_space<vmem_shared>> -> memref<632x128xf32, #tpu.memory_space<vmem_shared>>
      tpu.enqueue_dma source(%arg5 : memref<632x128xf32, #tpu.memory_space<hbm>>) target(%dma_start3A_13 : memref<632x128xf32, #tpu.memory_space<vmem_shared>>) target_semaphore(%run_scoped3A : memref<!tpu.dma_semaphore, #tpu.memory_space<semaphore_mem>>)
      %dma_wait3A = arith.constant 0 : i32
      %dma_wait3A_14 = tpu.memref_slice %arg10[%mul3A_2, %dma_wait3A] : memref<10112x128xf32, #tpu.memory_space<vmem_shared>> -> memref<632x128xf32, #tpu.memory_space<vmem_shared>>
      tpu.wait_dma2 semaphore(%run_scoped3A : memref<!tpu.dma_semaphore, #tpu.memory_space<semaphore_mem>>) src(%arg5 : memref<632x128xf32, #tpu.memory_space<hbm>>) dst(%dma_wait3A_14 : memref<632x128xf32, #tpu.memory_space<vmem_shared>>)
      tpu.yield
    }) : () -> ()
    "tpu.region"() ({
      %run_scoped3A = tpu.sem_alloc : memref<!tpu.dma_semaphore, #tpu.memory_space<semaphore_mem>>
      %dma_start3A = arith.constant 0 : i32
      %dma_start3A_13 = arith.constant 0 : i32
      %dma_start3A_14 = tpu.memref_slice %arg3[%add3A, %dma_start3A, %dma_start3A_13] : memref<32x79x128xi32, #tpu.memory_space<hbm>> -> memref<1x79x128xi32, #tpu.memory_space<hbm>>
      %dma_start3A_15 = tpu.memref_squeeze %dma_start3A_14 : memref<1x79x128xi32, #tpu.memory_space<hbm>> -> memref<79x128xi32, #tpu.memory_space<hbm>>
      %dma_start3A_16 = arith.constant 0 : i32
      %dma_start3A_17 = arith.constant 0 : i32
      %dma_start3A_18 = tpu.memref_slice %arg3[%add3A, %dma_start3A_16, %dma_start3A_17] : memref<32x79x128xi32, #tpu.memory_space<hbm>> -> memref<1x79x128xi32, #tpu.memory_space<hbm>>
      %dma_start3A_19 = tpu.memref_squeeze %dma_start3A_18 : memref<1x79x128xi32, #tpu.memory_space<hbm>> -> memref<79x128xi32, #tpu.memory_space<hbm>>
      tpu.enqueue_dma source(%dma_start3A_19 : memref<79x128xi32, #tpu.memory_space<hbm>>) target(%arg7 : memref<79x128xi32, #tpu.memory_space<vmem>>) target_semaphore(%run_scoped3A : memref<!tpu.dma_semaphore, #tpu.memory_space<semaphore_mem>>)
      %dma_wait3A = arith.constant 0 : i32
      %dma_wait3A_20 = arith.constant 0 : i32
      %dma_wait3A_21 = tpu.memref_slice %arg3[%add3A, %dma_wait3A, %dma_wait3A_20] : memref<32x79x128xi32, #tpu.memory_space<hbm>> -> memref<1x79x128xi32, #tpu.memory_space<hbm>>
      %dma_wait3A_22 = tpu.memref_squeeze %dma_wait3A_21 : memref<1x79x128xi32, #tpu.memory_space<hbm>> -> memref<79x128xi32, #tpu.memory_space<hbm>>
      %dma_wait3A_23 = arith.constant 0 : i32
      %dma_wait3A_24 = arith.constant 0 : i32
      %dma_wait3A_25 = tpu.memref_slice %arg3[%add3A, %dma_wait3A_23, %dma_wait3A_24] : memref<32x79x128xi32, #tpu.memory_space<hbm>> -> memref<1x79x128xi32, #tpu.memory_space<hbm>>
      %dma_wait3A_26 = tpu.memref_squeeze %dma_wait3A_25 : memref<1x79x128xi32, #tpu.memory_space<hbm>> -> memref<79x128xi32, #tpu.memory_space<hbm>>
      tpu.wait_dma2 semaphore(%run_scoped3A : memref<!tpu.dma_semaphore, #tpu.memory_space<semaphore_mem>>) src(%dma_wait3A_26 : memref<79x128xi32, #tpu.memory_space<hbm>>) dst(%arg7 : memref<79x128xi32, #tpu.memory_space<vmem>>)
      tpu.yield
    }) : () -> ()
    "tpu.region"() ({
      %run_scoped3A = tpu.sem_alloc : memref<!tpu.dma_semaphore, #tpu.memory_space<semaphore_mem>>
      %dma_start3A = arith.constant 0 : i32
      %dma_start3A_13 = arith.constant 0 : i32
      %dma_start3A_14 = tpu.memref_slice %arg4[%add3A, %dma_start3A, %dma_start3A_13] : memref<32x79x128xi32, #tpu.memory_space<hbm>> -> memref<1x79x128xi32, #tpu.memory_space<hbm>>
      %dma_start3A_15 = tpu.memref_squeeze %dma_start3A_14 : memref<1x79x128xi32, #tpu.memory_space<hbm>> -> memref<79x128xi32, #tpu.memory_space<hbm>>
      %dma_start3A_16 = arith.constant 0 : i32
      %dma_start3A_17 = arith.constant 0 : i32
      %dma_start3A_18 = tpu.memref_slice %arg4[%add3A, %dma_start3A_16, %dma_start3A_17] : memref<32x79x128xi32, #tpu.memory_space<hbm>> -> memref<1x79x128xi32, #tpu.memory_space<hbm>>
      %dma_start3A_19 = tpu.memref_squeeze %dma_start3A_18 : memref<1x79x128xi32, #tpu.memory_space<hbm>> -> memref<79x128xi32, #tpu.memory_space<hbm>>
      tpu.enqueue_dma source(%dma_start3A_19 : memref<79x128xi32, #tpu.memory_space<hbm>>) target(%arg8 : memref<79x128xi32, #tpu.memory_space<vmem>>) target_semaphore(%run_scoped3A : memref<!tpu.dma_semaphore, #tpu.memory_space<semaphore_mem>>)
      %dma_wait3A = arith.constant 0 : i32
      %dma_wait3A_20 = arith.constant 0 : i32
      %dma_wait3A_21 = tpu.memref_slice %arg4[%add3A, %dma_wait3A, %dma_wait3A_20] : memref<32x79x128xi32, #tpu.memory_space<hbm>> -> memref<1x79x128xi32, #tpu.memory_space<hbm>>
      %dma_wait3A_22 = tpu.memref_squeeze %dma_wait3A_21 : memref<1x79x128xi32, #tpu.memory_space<hbm>> -> memref<79x128xi32, #tpu.memory_space<hbm>>
      %dma_wait3A_23 = arith.constant 0 : i32
      %dma_wait3A_24 = arith.constant 0 : i32
      %dma_wait3A_25 = tpu.memref_slice %arg4[%add3A, %dma_wait3A_23, %dma_wait3A_24] : memref<32x79x128xi32, #tpu.memory_space<hbm>> -> memref<1x79x128xi32, #tpu.memory_space<hbm>>
      %dma_wait3A_26 = tpu.memref_squeeze %dma_wait3A_25 : memref<1x79x128xi32, #tpu.memory_space<hbm>> -> memref<79x128xi32, #tpu.memory_space<hbm>>
      tpu.wait_dma2 semaphore(%run_scoped3A : memref<!tpu.dma_semaphore, #tpu.memory_space<semaphore_mem>>) src(%dma_wait3A_26 : memref<79x128xi32, #tpu.memory_space<hbm>>) dst(%arg8 : memref<79x128xi32, #tpu.memory_space<vmem>>)
      tpu.yield
    }) : () -> ()
    %barrier3A = arith.constant 0 : index
    tpu.barrier barrier_id(%barrier3A)
    %scan3A = arith.constant 0 : i32
    %scan3A_3 = arith.constant 0 : i32
    %scan3A_4 = arith.constant 79 : i32
    %scan3A_5 = arith.addi %scan3A_3, %scan3A_4 : i32
    %scan3A_6 = arith.constant 1 : i32
    scf.for %scan3A_13 = %scan3A_3 to %scan3A_5 step %scan3A_6  : i32 {
      %dma_start3A = arith.constant 0 : i32
      %dma_start3A_14 = tpu.memref_slice %arg7[%scan3A_13, %dma_start3A] : memref<79x128xi32, #tpu.memory_space<vmem>> -> memref<1x128xi32, #tpu.memory_space<vmem>>
      %dma_start3A_15 = tpu.memref_squeeze %dma_start3A_14 : memref<1x128xi32, #tpu.memory_space<vmem>> -> memref<128xi32, #tpu.memory_space<vmem>>
      %dma_start3A_16 = arith.constant 0 : i32
      %dma_start3A_17 = arith.constant 0 : i32
      %dma_start3A_18 = tpu.memref_slice %arg2[%dma_start3A_16, %dma_start3A_17] : memref<10000x128xf32, #tpu.memory_space<hbm>> -> memref<10000x128xf32, #tpu.memory_space<hbm>>
      tpu.enqueue_indirect_dma source(%dma_start3A_18 : memref<10000x128xf32, #tpu.memory_space<hbm>>) target(%arg9 : memref<128x128xf32, #tpu.memory_space<vmem>>) offsets(%dma_start3A_15 : memref<128xi32, #tpu.memory_space<vmem>>) semaphore(%arg11 : memref<!tpu.dma_semaphore, #tpu.memory_space<semaphore_mem>>)
      %dma_wait3A = arith.constant 0 : i32
      %dma_wait3A_19 = tpu.memref_slice %arg7[%scan3A_13, %dma_wait3A] : memref<79x128xi32, #tpu.memory_space<vmem>> -> memref<1x128xi32, #tpu.memory_space<vmem>>
      %dma_wait3A_20 = tpu.memref_squeeze %dma_wait3A_19 : memref<1x128xi32, #tpu.memory_space<vmem>> -> memref<128xi32, #tpu.memory_space<vmem>>
      %dma_wait3A_21 = arith.constant 0 : i32
      %dma_wait3A_22 = arith.constant 0 : i32
      %dma_wait3A_23 = tpu.memref_slice %arg2[%dma_wait3A_21, %dma_wait3A_22] : memref<10000x128xf32, #tpu.memory_space<hbm>> -> memref<10000x128xf32, #tpu.memory_space<hbm>>
      tpu.wait_indirect_dma semaphore(%arg11 : memref<!tpu.dma_semaphore, #tpu.memory_space<semaphore_mem>>) src(%dma_wait3A_23 : memref<10000x128xf32, #tpu.memory_space<hbm>>) dst(%arg9 : memref<128x128xf32, #tpu.memory_space<vmem>>)
      "tpu.region"() ({
        %run_scoped3A = tpu.sem_alloc : memref<!tpu.dma_semaphore, #tpu.memory_space<semaphore_mem>>
        %dma_start3A_24 = arith.constant 0 : i32
        %dma_start3A_25 = tpu.memref_slice %arg8[%scan3A_13, %dma_start3A_24] : memref<79x128xi32, #tpu.memory_space<vmem>> -> memref<1x128xi32, #tpu.memory_space<vmem>>
        %dma_start3A_26 = tpu.memref_squeeze %dma_start3A_25 : memref<1x128xi32, #tpu.memory_space<vmem>> -> memref<128xi32, #tpu.memory_space<vmem>>
        %dma_start3A_27 = arith.constant 0 : i32
        %dma_start3A_28 = arith.constant 0 : i32
        %dma_start3A_29 = tpu.memref_slice %arg10[%dma_start3A_27, %dma_start3A_28] : memref<10112x128xf32, #tpu.memory_space<vmem_shared>> -> memref<10112x128xf32, #tpu.memory_space<vmem_shared>>
        tpu.enqueue_indirect_dma source(%arg9 : memref<128x128xf32, #tpu.memory_space<vmem>>) target(%dma_start3A_29 : memref<10112x128xf32, #tpu.memory_space<vmem_shared>>) offsets(%dma_start3A_26 : memref<128xi32, #tpu.memory_space<vmem>>) semaphore(%run_scoped3A : memref<!tpu.dma_semaphore, #tpu.memory_space<semaphore_mem>>) {add = true}
        %dma_wait3A_30 = arith.constant 0 : i32
        %dma_wait3A_31 = tpu.memref_slice %arg8[%scan3A_13, %dma_wait3A_30] : memref<79x128xi32, #tpu.memory_space<vmem>> -> memref<1x128xi32, #tpu.memory_space<vmem>>
        %dma_wait3A_32 = tpu.memref_squeeze %dma_wait3A_31 : memref<1x128xi32, #tpu.memory_space<vmem>> -> memref<128xi32, #tpu.memory_space<vmem>>
        %dma_wait3A_33 = arith.constant 0 : i32
        %dma_wait3A_34 = arith.constant 0 : i32
        %dma_wait3A_35 = tpu.memref_slice %arg10[%dma_wait3A_33, %dma_wait3A_34] : memref<10112x128xf32, #tpu.memory_space<vmem_shared>> -> memref<10112x128xf32, #tpu.memory_space<vmem_shared>>
        tpu.wait_indirect_dma semaphore(%run_scoped3A : memref<!tpu.dma_semaphore, #tpu.memory_space<semaphore_mem>>) src(%arg9 : memref<128x128xf32, #tpu.memory_space<vmem>>) dst(%dma_wait3A_35 : memref<10112x128xf32, #tpu.memory_space<vmem_shared>>)
        tpu.yield
      }) : () -> ()
    }
    %scan3A_7 = arith.constant 79 : i32
    %barrier3A_8 = arith.constant 0 : index
    tpu.barrier barrier_id(%barrier3A_8)
    %mul3A_9 = arith.constant 632 : i32
    %mul3A_10 = arith.muli %arg1, %mul3A_9 : i32
    %mul3A_11 = arith.constant 632 : i32
    %mul3A_12 = arith.muli %arg1, %mul3A_11 : i32
    "tpu.region"() ({
      %run_scoped3A = tpu.sem_alloc : memref<!tpu.dma_semaphore, #tpu.memory_space<semaphore_mem>>
      %dma_start3A = arith.constant 0 : i32
      %dma_start3A_13 = tpu.memref_slice %arg6[%arg0, %mul3A_12, %dma_start3A] : memref<2x10112x128xf32, #tpu.memory_space<hbm>> -> memref<1x632x128xf32, #tpu.memory_space<hbm>>
      %dma_start3A_14 = tpu.memref_squeeze %dma_start3A_13 : memref<1x632x128xf32, #tpu.memory_space<hbm>> -> memref<632x128xf32, #tpu.memory_space<hbm>>
      %dma_start3A_15 = arith.constant 0 : i32
      %dma_start3A_16 = tpu.memref_slice %arg10[%mul3A_10, %dma_start3A_15] : memref<10112x128xf32, #tpu.memory_space<vmem_shared>> -> memref<632x128xf32, #tpu.memory_space<vmem_shared>>
      tpu.enqueue_dma source(%dma_start3A_16 : memref<632x128xf32, #tpu.memory_space<vmem_shared>>) target(%dma_start3A_14 : memref<632x128xf32, #tpu.memory_space<hbm>>) target_semaphore(%run_scoped3A : memref<!tpu.dma_semaphore, #tpu.memory_space<semaphore_mem>>)
      %dma_wait3A = arith.constant 0 : i32
      %dma_wait3A_17 = tpu.memref_slice %arg6[%arg0, %mul3A_12, %dma_wait3A] : memref<2x10112x128xf32, #tpu.memory_space<hbm>> -> memref<1x632x128xf32, #tpu.memory_space<hbm>>
      %dma_wait3A_18 = tpu.memref_squeeze %dma_wait3A_17 : memref<1x632x128xf32, #tpu.memory_space<hbm>> -> memref<632x128xf32, #tpu.memory_space<hbm>>
      %dma_wait3A_19 = arith.constant 0 : i32
      %dma_wait3A_20 = tpu.memref_slice %arg10[%mul3A_10, %dma_wait3A_19] : memref<10112x128xf32, #tpu.memory_space<vmem_shared>> -> memref<632x128xf32, #tpu.memory_space<vmem_shared>>
      tpu.wait_dma2 semaphore(%run_scoped3A : memref<!tpu.dma_semaphore, #tpu.memory_space<semaphore_mem>>) src(%dma_wait3A_20 : memref<632x128xf32, #tpu.memory_space<vmem_shared>>) dst(%dma_wait3A_18 : memref<632x128xf32, #tpu.memory_space<hbm>>)
      tpu.yield
    }) : () -> ()
    return
  }
}

#map = affine_map<(d0, d1) -> (0, 0)>
#map1 = affine_map<(d0, d1) -> (0, 0, 0)>
module attributes {stable_mosaic.version = 14 : i64} {
  func.func @_sc_seg_sum(%arg0: i32, %arg1: i32, %arg2: memref<10000x128xf32, #tpu.memory_space<hbm>>, %arg3: memref<32x79x128xi32, #tpu.memory_space<hbm>>, %arg4: memref<32x79x128xi32, #tpu.memory_space<hbm>>, %arg5: memref<632x128xf32, #tpu.memory_space<hbm>>, %arg6: memref<2x10112x128xf32, #tpu.memory_space<hbm>>, %arg7: memref<79x128xi32, #tpu.memory_space<vmem>>, %arg8: memref<79x128xi32, #tpu.memory_space<vmem>>, %arg9: memref<128x128xf32, #tpu.memory_space<vmem>>, %arg10: memref<10112x128xf32, #tpu.memory_space<vmem_shared>>, %arg11: memref<!tpu.dma_semaphore, #tpu.memory_space<semaphore_mem>>) attributes {dimension_semantics = [#tpu.dimension_semantics<core_parallel>, #tpu.dimension_semantics<subcore_parallel>], iteration_bounds = array<i64: 2, 16>, scalar_prefetch = 0 : i64, scratch_operands = 5 : i64, tpu.core_type = #tpu.core_type<sc_vector_subcore>, window_params = [{transform_indices = #map}, {transform_indices = #map1}, {transform_indices = #map1}, {transform_indices = #map}, {transform_indices = #map1}]} {
    %mul3A = arith.constant 2 : i32
    %mul3A_0 = arith.muli %arg1, %mul3A : i32
    %add3A = arith.addi %mul3A_0, %arg0 : i32
    %mul3A_1 = arith.constant 632 : i32
    %mul3A_2 = arith.muli %arg1, %mul3A_1 : i32
    "tpu.region"() ({
      %run_scoped3A = tpu.sem_alloc : memref<!tpu.dma_semaphore, #tpu.memory_space<semaphore_mem>>
      %dma_start3A = arith.constant 0 : i32
      %dma_start3A_13 = tpu.memref_slice %arg10[%mul3A_2, %dma_start3A] : memref<10112x128xf32, #tpu.memory_space<vmem_shared>> -> memref<632x128xf32, #tpu.memory_space<vmem_shared>>
      tpu.enqueue_dma source(%arg5 : memref<632x128xf32, #tpu.memory_space<hbm>>) target(%dma_start3A_13 : memref<632x128xf32, #tpu.memory_space<vmem_shared>>) target_semaphore(%run_scoped3A : memref<!tpu.dma_semaphore, #tpu.memory_space<semaphore_mem>>)
      %dma_wait3A = arith.constant 0 : i32
      %dma_wait3A_14 = tpu.memref_slice %arg10[%mul3A_2, %dma_wait3A] : memref<10112x128xf32, #tpu.memory_space<vmem_shared>> -> memref<632x128xf32, #tpu.memory_space<vmem_shared>>
      tpu.wait_dma2 semaphore(%run_scoped3A : memref<!tpu.dma_semaphore, #tpu.memory_space<semaphore_mem>>) src(%arg5 : memref<632x128xf32, #tpu.memory_space<hbm>>) dst(%dma_wait3A_14 : memref<632x128xf32, #tpu.memory_space<vmem_shared>>)
      tpu.yield
    }) : () -> ()
    "tpu.region"() ({
      %run_scoped3A = tpu.sem_alloc : memref<!tpu.dma_semaphore, #tpu.memory_space<semaphore_mem>>
      %dma_start3A = arith.constant 0 : i32
      %dma_start3A_13 = arith.constant 0 : i32
      %dma_start3A_14 = tpu.memref_slice %arg3[%add3A, %dma_start3A, %dma_start3A_13] : memref<32x79x128xi32, #tpu.memory_space<hbm>> -> memref<1x79x128xi32, #tpu.memory_space<hbm>>
      %dma_start3A_15 = tpu.memref_squeeze %dma_start3A_14 : memref<1x79x128xi32, #tpu.memory_space<hbm>> -> memref<79x128xi32, #tpu.memory_space<hbm>>
      %dma_start3A_16 = arith.constant 0 : i32
      %dma_start3A_17 = arith.constant 0 : i32
      %dma_start3A_18 = tpu.memref_slice %arg3[%add3A, %dma_start3A_16, %dma_start3A_17] : memref<32x79x128xi32, #tpu.memory_space<hbm>> -> memref<1x79x128xi32, #tpu.memory_space<hbm>>
      %dma_start3A_19 = tpu.memref_squeeze %dma_start3A_18 : memref<1x79x128xi32, #tpu.memory_space<hbm>> -> memref<79x128xi32, #tpu.memory_space<hbm>>
      tpu.enqueue_dma source(%dma_start3A_19 : memref<79x128xi32, #tpu.memory_space<hbm>>) target(%arg7 : memref<79x128xi32, #tpu.memory_space<vmem>>) target_semaphore(%run_scoped3A : memref<!tpu.dma_semaphore, #tpu.memory_space<semaphore_mem>>)
      %dma_wait3A = arith.constant 0 : i32
      %dma_wait3A_20 = arith.constant 0 : i32
      %dma_wait3A_21 = tpu.memref_slice %arg3[%add3A, %dma_wait3A, %dma_wait3A_20] : memref<32x79x128xi32, #tpu.memory_space<hbm>> -> memref<1x79x128xi32, #tpu.memory_space<hbm>>
      %dma_wait3A_22 = tpu.memref_squeeze %dma_wait3A_21 : memref<1x79x128xi32, #tpu.memory_space<hbm>> -> memref<79x128xi32, #tpu.memory_space<hbm>>
      %dma_wait3A_23 = arith.constant 0 : i32
      %dma_wait3A_24 = arith.constant 0 : i32
      %dma_wait3A_25 = tpu.memref_slice %arg3[%add3A, %dma_wait3A_23, %dma_wait3A_24] : memref<32x79x128xi32, #tpu.memory_space<hbm>> -> memref<1x79x128xi32, #tpu.memory_space<hbm>>
      %dma_wait3A_26 = tpu.memref_squeeze %dma_wait3A_25 : memref<1x79x128xi32, #tpu.memory_space<hbm>> -> memref<79x128xi32, #tpu.memory_space<hbm>>
      tpu.wait_dma2 semaphore(%run_scoped3A : memref<!tpu.dma_semaphore, #tpu.memory_space<semaphore_mem>>) src(%dma_wait3A_26 : memref<79x128xi32, #tpu.memory_space<hbm>>) dst(%arg7 : memref<79x128xi32, #tpu.memory_space<vmem>>)
      tpu.yield
    }) : () -> ()
    "tpu.region"() ({
      %run_scoped3A = tpu.sem_alloc : memref<!tpu.dma_semaphore, #tpu.memory_space<semaphore_mem>>
      %dma_start3A = arith.constant 0 : i32
      %dma_start3A_13 = arith.constant 0 : i32
      %dma_start3A_14 = tpu.memref_slice %arg4[%add3A, %dma_start3A, %dma_start3A_13] : memref<32x79x128xi32, #tpu.memory_space<hbm>> -> memref<1x79x128xi32, #tpu.memory_space<hbm>>
      %dma_start3A_15 = tpu.memref_squeeze %dma_start3A_14 : memref<1x79x128xi32, #tpu.memory_space<hbm>> -> memref<79x128xi32, #tpu.memory_space<hbm>>
      %dma_start3A_16 = arith.constant 0 : i32
      %dma_start3A_17 = arith.constant 0 : i32
      %dma_start3A_18 = tpu.memref_slice %arg4[%add3A, %dma_start3A_16, %dma_start3A_17] : memref<32x79x128xi32, #tpu.memory_space<hbm>> -> memref<1x79x128xi32, #tpu.memory_space<hbm>>
      %dma_start3A_19 = tpu.memref_squeeze %dma_start3A_18 : memref<1x79x128xi32, #tpu.memory_space<hbm>> -> memref<79x128xi32, #tpu.memory_space<hbm>>
      tpu.enqueue_dma source(%dma_start3A_19 : memref<79x128xi32, #tpu.memory_space<hbm>>) target(%arg8 : memref<79x128xi32, #tpu.memory_space<vmem>>) target_semaphore(%run_scoped3A : memref<!tpu.dma_semaphore, #tpu.memory_space<semaphore_mem>>)
      %dma_wait3A = arith.constant 0 : i32
      %dma_wait3A_20 = arith.constant 0 : i32
      %dma_wait3A_21 = tpu.memref_slice %arg4[%add3A, %dma_wait3A, %dma_wait3A_20] : memref<32x79x128xi32, #tpu.memory_space<hbm>> -> memref<1x79x128xi32, #tpu.memory_space<hbm>>
      %dma_wait3A_22 = tpu.memref_squeeze %dma_wait3A_21 : memref<1x79x128xi32, #tpu.memory_space<hbm>> -> memref<79x128xi32, #tpu.memory_space<hbm>>
      %dma_wait3A_23 = arith.constant 0 : i32
      %dma_wait3A_24 = arith.constant 0 : i32
      %dma_wait3A_25 = tpu.memref_slice %arg4[%add3A, %dma_wait3A_23, %dma_wait3A_24] : memref<32x79x128xi32, #tpu.memory_space<hbm>> -> memref<1x79x128xi32, #tpu.memory_space<hbm>>
      %dma_wait3A_26 = tpu.memref_squeeze %dma_wait3A_25 : memref<1x79x128xi32, #tpu.memory_space<hbm>> -> memref<79x128xi32, #tpu.memory_space<hbm>>
      tpu.wait_dma2 semaphore(%run_scoped3A : memref<!tpu.dma_semaphore, #tpu.memory_space<semaphore_mem>>) src(%dma_wait3A_26 : memref<79x128xi32, #tpu.memory_space<hbm>>) dst(%arg8 : memref<79x128xi32, #tpu.memory_space<vmem>>)
      tpu.yield
    }) : () -> ()
    %barrier3A = arith.constant 0 : index
    tpu.barrier barrier_id(%barrier3A)
    %scan3A = arith.constant 0 : i32
    %scan3A_3 = arith.constant 0 : i32
    %scan3A_4 = arith.constant 79 : i32
    %scan3A_5 = arith.addi %scan3A_3, %scan3A_4 : i32
    %scan3A_6 = arith.constant 1 : i32
    scf.for %scan3A_13 = %scan3A_3 to %scan3A_5 step %scan3A_6  : i32 {
      %dma_start3A = arith.constant 0 : i32
      %dma_start3A_14 = tpu.memref_slice %arg7[%scan3A_13, %dma_start3A] : memref<79x128xi32, #tpu.memory_space<vmem>> -> memref<1x128xi32, #tpu.memory_space<vmem>>
      %dma_start3A_15 = tpu.memref_squeeze %dma_start3A_14 : memref<1x128xi32, #tpu.memory_space<vmem>> -> memref<128xi32, #tpu.memory_space<vmem>>
      %dma_start3A_16 = arith.constant 0 : i32
      %dma_start3A_17 = arith.constant 0 : i32
      %dma_start3A_18 = tpu.memref_slice %arg2[%dma_start3A_16, %dma_start3A_17] : memref<10000x128xf32, #tpu.memory_space<hbm>> -> memref<10000x128xf32, #tpu.memory_space<hbm>>
      tpu.enqueue_indirect_dma source(%dma_start3A_18 : memref<10000x128xf32, #tpu.memory_space<hbm>>) target(%arg9 : memref<128x128xf32, #tpu.memory_space<vmem>>) offsets(%dma_start3A_15 : memref<128xi32, #tpu.memory_space<vmem>>) semaphore(%arg11 : memref<!tpu.dma_semaphore, #tpu.memory_space<semaphore_mem>>)
      %dma_wait3A = arith.constant 0 : i32
      %dma_wait3A_19 = tpu.memref_slice %arg7[%scan3A_13, %dma_wait3A] : memref<79x128xi32, #tpu.memory_space<vmem>> -> memref<1x128xi32, #tpu.memory_space<vmem>>
      %dma_wait3A_20 = tpu.memref_squeeze %dma_wait3A_19 : memref<1x128xi32, #tpu.memory_space<vmem>> -> memref<128xi32, #tpu.memory_space<vmem>>
      %dma_wait3A_21 = arith.constant 0 : i32
      %dma_wait3A_22 = arith.constant 0 : i32
      %dma_wait3A_23 = tpu.memref_slice %arg2[%dma_wait3A_21, %dma_wait3A_22] : memref<10000x128xf32, #tpu.memory_space<hbm>> -> memref<10000x128xf32, #tpu.memory_space<hbm>>
      tpu.wait_indirect_dma semaphore(%arg11 : memref<!tpu.dma_semaphore, #tpu.memory_space<semaphore_mem>>) src(%dma_wait3A_23 : memref<10000x128xf32, #tpu.memory_space<hbm>>) dst(%arg9 : memref<128x128xf32, #tpu.memory_space<vmem>>)
      "tpu.region"() ({
        %run_scoped3A = tpu.sem_alloc : memref<!tpu.dma_semaphore, #tpu.memory_space<semaphore_mem>>
        %dma_start3A_24 = arith.constant 0 : i32
        %dma_start3A_25 = tpu.memref_slice %arg8[%scan3A_13, %dma_start3A_24] : memref<79x128xi32, #tpu.memory_space<vmem>> -> memref<1x128xi32, #tpu.memory_space<vmem>>
        %dma_start3A_26 = tpu.memref_squeeze %dma_start3A_25 : memref<1x128xi32, #tpu.memory_space<vmem>> -> memref<128xi32, #tpu.memory_space<vmem>>
        %dma_start3A_27 = arith.constant 0 : i32
        %dma_start3A_28 = arith.constant 0 : i32
        %dma_start3A_29 = tpu.memref_slice %arg10[%dma_start3A_27, %dma_start3A_28] : memref<10112x128xf32, #tpu.memory_space<vmem_shared>> -> memref<10112x128xf32, #tpu.memory_space<vmem_shared>>
        tpu.enqueue_indirect_dma source(%arg9 : memref<128x128xf32, #tpu.memory_space<vmem>>) target(%dma_start3A_29 : memref<10112x128xf32, #tpu.memory_space<vmem_shared>>) offsets(%dma_start3A_26 : memref<128xi32, #tpu.memory_space<vmem>>) semaphore(%run_scoped3A : memref<!tpu.dma_semaphore, #tpu.memory_space<semaphore_mem>>) {add = true}
        %dma_wait3A_30 = arith.constant 0 : i32
        %dma_wait3A_31 = tpu.memref_slice %arg8[%scan3A_13, %dma_wait3A_30] : memref<79x128xi32, #tpu.memory_space<vmem>> -> memref<1x128xi32, #tpu.memory_space<vmem>>
        %dma_wait3A_32 = tpu.memref_squeeze %dma_wait3A_31 : memref<1x128xi32, #tpu.memory_space<vmem>> -> memref<128xi32, #tpu.memory_space<vmem>>
        %dma_wait3A_33 = arith.constant 0 : i32
        %dma_wait3A_34 = arith.constant 0 : i32
        %dma_wait3A_35 = tpu.memref_slice %arg10[%dma_wait3A_33, %dma_wait3A_34] : memref<10112x128xf32, #tpu.memory_space<vmem_shared>> -> memref<10112x128xf32, #tpu.memory_space<vmem_shared>>
        tpu.wait_indirect_dma semaphore(%run_scoped3A : memref<!tpu.dma_semaphore, #tpu.memory_space<semaphore_mem>>) src(%arg9 : memref<128x128xf32, #tpu.memory_space<vmem>>) dst(%dma_wait3A_35 : memref<10112x128xf32, #tpu.memory_space<vmem_shared>>)
        tpu.yield
      }) : () -> ()
    }
    %scan3A_7 = arith.constant 79 : i32
    %barrier3A_8 = arith.constant 0 : index
    tpu.barrier barrier_id(%barrier3A_8)
    %mul3A_9 = arith.constant 632 : i32
    %mul3A_10 = arith.muli %arg1, %mul3A_9 : i32
    %mul3A_11 = arith.constant 632 : i32
    %mul3A_12 = arith.muli %arg1, %mul3A_11 : i32
    "tpu.region"() ({
      %run_scoped3A = tpu.sem_alloc : memref<!tpu.dma_semaphore, #tpu.memory_space<semaphore_mem>>
      %dma_start3A = arith.constant 0 : i32
      %dma_start3A_13 = tpu.memref_slice %arg6[%arg0, %mul3A_12, %dma_start3A] : memref<2x10112x128xf32, #tpu.memory_space<hbm>> -> memref<1x632x128xf32, #tpu.memory_space<hbm>>
      %dma_start3A_14 = tpu.memref_squeeze %dma_start3A_13 : memref<1x632x128xf32, #tpu.memory_space<hbm>> -> memref<632x128xf32, #tpu.memory_space<hbm>>
      %dma_start3A_15 = arith.constant 0 : i32
      %dma_start3A_16 = tpu.memref_slice %arg10[%mul3A_10, %dma_start3A_15] : memref<10112x128xf32, #tpu.memory_space<vmem_shared>> -> memref<632x128xf32, #tpu.memory_space<vmem_shared>>
      tpu.enqueue_dma source(%dma_start3A_16 : memref<632x128xf32, #tpu.memory_space<vmem_shared>>) target(%dma_start3A_14 : memref<632x128xf32, #tpu.memory_space<hbm>>) target_semaphore(%run_scoped3A : memref<!tpu.dma_semaphore, #tpu.memory_space<semaphore_mem>>)
      %dma_wait3A = arith.constant 0 : i32
      %dma_wait3A_17 = tpu.memref_slice %arg6[%arg0, %mul3A_12, %dma_wait3A] : memref<2x10112x128xf32, #tpu.memory_space<hbm>> -> memref<1x632x128xf32, #tpu.memory_space<hbm>>
      %dma_wait3A_18 = tpu.memref_squeeze %dma_wait3A_17 : memref<1x632x128xf32, #tpu.memory_space<hbm>> -> memref<632x128xf32, #tpu.memory_space<hbm>>
      %dma_wait3A_19 = arith.constant 0 : i32
      %dma_wait3A_20 = tpu.memref_slice %arg10[%mul3A_10, %dma_wait3A_19] : memref<10112x128xf32, #tpu.memory_space<vmem_shared>> -> memref<632x128xf32, #tpu.memory_space<vmem_shared>>
      tpu.wait_dma2 semaphore(%run_scoped3A : memref<!tpu.dma_semaphore, #tpu.memory_space<semaphore_mem>>) src(%dma_wait3A_20 : memref<632x128xf32, #tpu.memory_space<vmem_shared>>) dst(%dma_wait3A_18 : memref<632x128xf32, #tpu.memory_space<hbm>>)
      tpu.yield
    }) : () -> ()
    return
  }
}

#map = affine_map<(d0, d1) -> (0, 0)>
#map1 = affine_map<(d0, d1) -> (0, 0, 0)>
module attributes {stable_mosaic.version = 14 : i64} {
  func.func @_sc_degree(%arg0: i32, %arg1: i32, %arg2: memref<128x128xf32, #tpu.memory_space<hbm>>, %arg3: memref<32x79x128xi32, #tpu.memory_space<hbm>>, %arg4: memref<632x128xf32, #tpu.memory_space<hbm>>, %arg5: memref<2x10112x128xf32, #tpu.memory_space<hbm>>, %arg6: memref<79x128xi32, #tpu.memory_space<vmem>>, %arg7: memref<128x128xf32, #tpu.memory_space<vmem>>, %arg8: memref<10112x128xf32, #tpu.memory_space<vmem_shared>>) attributes {dimension_semantics = [#tpu.dimension_semantics<core_parallel>, #tpu.dimension_semantics<subcore_parallel>], iteration_bounds = array<i64: 2, 16>, scalar_prefetch = 0 : i64, scratch_operands = 3 : i64, tpu.core_type = #tpu.core_type<sc_vector_subcore>, window_params = [{transform_indices = #map}, {transform_indices = #map1}, {transform_indices = #map}, {transform_indices = #map1}]} {
    %mul3A = arith.constant 2 : i32
    %mul3A_0 = arith.muli %arg1, %mul3A : i32
    %add3A = arith.addi %mul3A_0, %arg0 : i32
    %mul3A_1 = arith.constant 632 : i32
    %mul3A_2 = arith.muli %arg1, %mul3A_1 : i32
    "tpu.region"() ({
      %run_scoped3A = tpu.sem_alloc : memref<!tpu.dma_semaphore, #tpu.memory_space<semaphore_mem>>
      %dma_start3A = arith.constant 0 : i32
      %dma_start3A_13 = tpu.memref_slice %arg8[%mul3A_2, %dma_start3A] : memref<10112x128xf32, #tpu.memory_space<vmem_shared>> -> memref<632x128xf32, #tpu.memory_space<vmem_shared>>
      tpu.enqueue_dma source(%arg4 : memref<632x128xf32, #tpu.memory_space<hbm>>) target(%dma_start3A_13 : memref<632x128xf32, #tpu.memory_space<vmem_shared>>) target_semaphore(%run_scoped3A : memref<!tpu.dma_semaphore, #tpu.memory_space<semaphore_mem>>)
      %dma_wait3A = arith.constant 0 : i32
      %dma_wait3A_14 = tpu.memref_slice %arg8[%mul3A_2, %dma_wait3A] : memref<10112x128xf32, #tpu.memory_space<vmem_shared>> -> memref<632x128xf32, #tpu.memory_space<vmem_shared>>
      tpu.wait_dma2 semaphore(%run_scoped3A : memref<!tpu.dma_semaphore, #tpu.memory_space<semaphore_mem>>) src(%arg4 : memref<632x128xf32, #tpu.memory_space<hbm>>) dst(%dma_wait3A_14 : memref<632x128xf32, #tpu.memory_space<vmem_shared>>)
      tpu.yield
    }) : () -> ()
    "tpu.region"() ({
      %run_scoped3A = tpu.sem_alloc : memref<!tpu.dma_semaphore, #tpu.memory_space<semaphore_mem>>
      tpu.enqueue_dma source(%arg2 : memref<128x128xf32, #tpu.memory_space<hbm>>) target(%arg7 : memref<128x128xf32, #tpu.memory_space<vmem>>) target_semaphore(%run_scoped3A : memref<!tpu.dma_semaphore, #tpu.memory_space<semaphore_mem>>)
      tpu.wait_dma2 semaphore(%run_scoped3A : memref<!tpu.dma_semaphore, #tpu.memory_space<semaphore_mem>>) src(%arg2 : memref<128x128xf32, #tpu.memory_space<hbm>>) dst(%arg7 : memref<128x128xf32, #tpu.memory_space<vmem>>)
      tpu.yield
    }) : () -> ()
    "tpu.region"() ({
      %run_scoped3A = tpu.sem_alloc : memref<!tpu.dma_semaphore, #tpu.memory_space<semaphore_mem>>
      %dma_start3A = arith.constant 0 : i32
      %dma_start3A_13 = arith.constant 0 : i32
      %dma_start3A_14 = tpu.memref_slice %arg3[%add3A, %dma_start3A, %dma_start3A_13] : memref<32x79x128xi32, #tpu.memory_space<hbm>> -> memref<1x79x128xi32, #tpu.memory_space<hbm>>
      %dma_start3A_15 = tpu.memref_squeeze %dma_start3A_14 : memref<1x79x128xi32, #tpu.memory_space<hbm>> -> memref<79x128xi32, #tpu.memory_space<hbm>>
      %dma_start3A_16 = arith.constant 0 : i32
      %dma_start3A_17 = arith.constant 0 : i32
      %dma_start3A_18 = tpu.memref_slice %arg3[%add3A, %dma_start3A_16, %dma_start3A_17] : memref<32x79x128xi32, #tpu.memory_space<hbm>> -> memref<1x79x128xi32, #tpu.memory_space<hbm>>
      %dma_start3A_19 = tpu.memref_squeeze %dma_start3A_18 : memref<1x79x128xi32, #tpu.memory_space<hbm>> -> memref<79x128xi32, #tpu.memory_space<hbm>>
      tpu.enqueue_dma source(%dma_start3A_19 : memref<79x128xi32, #tpu.memory_space<hbm>>) target(%arg6 : memref<79x128xi32, #tpu.memory_space<vmem>>) target_semaphore(%run_scoped3A : memref<!tpu.dma_semaphore, #tpu.memory_space<semaphore_mem>>)
      %dma_wait3A = arith.constant 0 : i32
      %dma_wait3A_20 = arith.constant 0 : i32
      %dma_wait3A_21 = tpu.memref_slice %arg3[%add3A, %dma_wait3A, %dma_wait3A_20] : memref<32x79x128xi32, #tpu.memory_space<hbm>> -> memref<1x79x128xi32, #tpu.memory_space<hbm>>
      %dma_wait3A_22 = tpu.memref_squeeze %dma_wait3A_21 : memref<1x79x128xi32, #tpu.memory_space<hbm>> -> memref<79x128xi32, #tpu.memory_space<hbm>>
      %dma_wait3A_23 = arith.constant 0 : i32
      %dma_wait3A_24 = arith.constant 0 : i32
      %dma_wait3A_25 = tpu.memref_slice %arg3[%add3A, %dma_wait3A_23, %dma_wait3A_24] : memref<32x79x128xi32, #tpu.memory_space<hbm>> -> memref<1x79x128xi32, #tpu.memory_space<hbm>>
      %dma_wait3A_26 = tpu.memref_squeeze %dma_wait3A_25 : memref<1x79x128xi32, #tpu.memory_space<hbm>> -> memref<79x128xi32, #tpu.memory_space<hbm>>
      tpu.wait_dma2 semaphore(%run_scoped3A : memref<!tpu.dma_semaphore, #tpu.memory_space<semaphore_mem>>) src(%dma_wait3A_26 : memref<79x128xi32, #tpu.memory_space<hbm>>) dst(%arg6 : memref<79x128xi32, #tpu.memory_space<vmem>>)
      tpu.yield
    }) : () -> ()
    %barrier3A = arith.constant 0 : index
    tpu.barrier barrier_id(%barrier3A)
    %scan3A = arith.constant 0 : i32
    %scan3A_3 = arith.constant 0 : i32
    %scan3A_4 = arith.constant 79 : i32
    %scan3A_5 = arith.addi %scan3A_3, %scan3A_4 : i32
    %scan3A_6 = arith.constant 1 : i32
    scf.for %scan3A_13 = %scan3A_3 to %scan3A_5 step %scan3A_6  : i32 {
      "tpu.region"() ({
        %run_scoped3A = tpu.sem_alloc : memref<!tpu.dma_semaphore, #tpu.memory_space<semaphore_mem>>
        %dma_start3A = arith.constant 0 : i32
        %dma_start3A_14 = tpu.memref_slice %arg6[%scan3A_13, %dma_start3A] : memref<79x128xi32, #tpu.memory_space<vmem>> -> memref<1x128xi32, #tpu.memory_space<vmem>>
        %dma_start3A_15 = tpu.memref_squeeze %dma_start3A_14 : memref<1x128xi32, #tpu.memory_space<vmem>> -> memref<128xi32, #tpu.memory_space<vmem>>
        %dma_start3A_16 = arith.constant 0 : i32
        %dma_start3A_17 = arith.constant 0 : i32
        %dma_start3A_18 = tpu.memref_slice %arg8[%dma_start3A_16, %dma_start3A_17] : memref<10112x128xf32, #tpu.memory_space<vmem_shared>> -> memref<10112x128xf32, #tpu.memory_space<vmem_shared>>
        tpu.enqueue_indirect_dma source(%arg7 : memref<128x128xf32, #tpu.memory_space<vmem>>) target(%dma_start3A_18 : memref<10112x128xf32, #tpu.memory_space<vmem_shared>>) offsets(%dma_start3A_15 : memref<128xi32, #tpu.memory_space<vmem>>) semaphore(%run_scoped3A : memref<!tpu.dma_semaphore, #tpu.memory_space<semaphore_mem>>) {add = true}
        %dma_wait3A = arith.constant 0 : i32
        %dma_wait3A_19 = tpu.memref_slice %arg6[%scan3A_13, %dma_wait3A] : memref<79x128xi32, #tpu.memory_space<vmem>> -> memref<1x128xi32, #tpu.memory_space<vmem>>
        %dma_wait3A_20 = tpu.memref_squeeze %dma_wait3A_19 : memref<1x128xi32, #tpu.memory_space<vmem>> -> memref<128xi32, #tpu.memory_space<vmem>>
        %dma_wait3A_21 = arith.constant 0 : i32
        %dma_wait3A_22 = arith.constant 0 : i32
        %dma_wait3A_23 = tpu.memref_slice %arg8[%dma_wait3A_21, %dma_wait3A_22] : memref<10112x128xf32, #tpu.memory_space<vmem_shared>> -> memref<10112x128xf32, #tpu.memory_space<vmem_shared>>
        tpu.wait_indirect_dma semaphore(%run_scoped3A : memref<!tpu.dma_semaphore, #tpu.memory_space<semaphore_mem>>) src(%arg7 : memref<128x128xf32, #tpu.memory_space<vmem>>) dst(%dma_wait3A_23 : memref<10112x128xf32, #tpu.memory_space<vmem_shared>>)
        tpu.yield
      }) : () -> ()
    }
    %scan3A_7 = arith.constant 79 : i32
    %barrier3A_8 = arith.constant 0 : index
    tpu.barrier barrier_id(%barrier3A_8)
    %mul3A_9 = arith.constant 632 : i32
    %mul3A_10 = arith.muli %arg1, %mul3A_9 : i32
    %mul3A_11 = arith.constant 632 : i32
    %mul3A_12 = arith.muli %arg1, %mul3A_11 : i32
    "tpu.region"() ({
      %run_scoped3A = tpu.sem_alloc : memref<!tpu.dma_semaphore, #tpu.memory_space<semaphore_mem>>
      %dma_start3A = arith.constant 0 : i32
      %dma_start3A_13 = tpu.memref_slice %arg5[%arg0, %mul3A_12, %dma_start3A] : memref<2x10112x128xf32, #tpu.memory_space<hbm>> -> memref<1x632x128xf32, #tpu.memory_space<hbm>>
      %dma_start3A_14 = tpu.memref_squeeze %dma_start3A_13 : memref<1x632x128xf32, #tpu.memory_space<hbm>> -> memref<632x128xf32, #tpu.memory_space<hbm>>
      %dma_start3A_15 = arith.constant 0 : i32
      %dma_start3A_16 = tpu.memref_slice %arg8[%mul3A_10, %dma_start3A_15] : memref<10112x128xf32, #tpu.memory_space<vmem_shared>> -> memref<632x128xf32, #tpu.memory_space<vmem_shared>>
      tpu.enqueue_dma source(%dma_start3A_16 : memref<632x128xf32, #tpu.memory_space<vmem_shared>>) target(%dma_start3A_14 : memref<632x128xf32, #tpu.memory_space<hbm>>) target_semaphore(%run_scoped3A : memref<!tpu.dma_semaphore, #tpu.memory_space<semaphore_mem>>)
      %dma_wait3A = arith.constant 0 : i32
      %dma_wait3A_17 = tpu.memref_slice %arg5[%arg0, %mul3A_12, %dma_wait3A] : memref<2x10112x128xf32, #tpu.memory_space<hbm>> -> memref<1x632x128xf32, #tpu.memory_space<hbm>>
      %dma_wait3A_18 = tpu.memref_squeeze %dma_wait3A_17 : memref<1x632x128xf32, #tpu.memory_space<hbm>> -> memref<632x128xf32, #tpu.memory_space<hbm>>
      %dma_wait3A_19 = arith.constant 0 : i32
      %dma_wait3A_20 = tpu.memref_slice %arg8[%mul3A_10, %dma_wait3A_19] : memref<10112x128xf32, #tpu.memory_space<vmem_shared>> -> memref<632x128xf32, #tpu.memory_space<vmem_shared>>
      tpu.wait_dma2 semaphore(%run_scoped3A : memref<!tpu.dma_semaphore, #tpu.memory_space<semaphore_mem>>) src(%dma_wait3A_20 : memref<632x128xf32, #tpu.memory_space<vmem_shared>>) dst(%dma_wait3A_18 : memref<632x128xf32, #tpu.memory_space<hbm>>)
      tpu.yield
    }) : () -> ()
    return
  }
}

module attributes {stable_mosaic.version = 14 : i64} {
  func.func @_tc2_body(%arg0: i32, %arg1: memref<1x400x128xf32, #tpu.memory_space<vmem>>, %arg2: memref<1x400x128xf32, #tpu.memory_space<vmem>>, %arg3: memref<400x128xf32, #tpu.memory_space<vmem>>, %arg4: memref<400x8xf32, #tpu.memory_space<vmem>>, %arg5: memref<1x1x400xi32, #tpu.memory_space<vmem>>, %arg6: memref<128x128xf32, #tpu.memory_space<vmem>>, %arg7: memref<128x128xf32, #tpu.memory_space<vmem>>, %arg8: memref<1x128xf32, #tpu.memory_space<vmem>>, %arg9: memref<128x16xf32, #tpu.memory_space<vmem>>, %arg10: memref<1x16xf32, #tpu.memory_space<vmem>>, %arg11: memref<64x16xf32, #tpu.memory_space<vmem>>, %arg12: memref<64x128xf32, #tpu.memory_space<vmem>>, %arg13: memref<64x128xf32, #tpu.memory_space<vmem>>) attributes {dimension_semantics = [#tpu.dimension_semantics<arbitrary>], iteration_bounds = array<i64: 25>, scalar_prefetch = 0 : i64, scratch_operands = 2 : i64, tpu.core_type = #tpu.core_type<tc>, window_params = [{transform_indices = @transform_0, window_bounds = array<i64: 1, 400, 128>}, {transform_indices = @transform_1, window_bounds = array<i64: 1, 400, 128>}, {transform_indices = @transform_2, window_bounds = array<i64: 400, 128>}, {transform_indices = @transform_3, window_bounds = array<i64: 400, 8>}, {transform_indices = @transform_4, window_bounds = array<i64: 1, 1, 400>}, {pipeline_mode = #tpu.pipeline_mode<synchronous>, transform_indices = @transform_5, window_bounds = array<i64: 128, 128>}, {pipeline_mode = #tpu.pipeline_mode<synchronous>, transform_indices = @transform_6, window_bounds = array<i64: 128, 128>}, {pipeline_mode = #tpu.pipeline_mode<synchronous>, transform_indices = @transform_7, window_bounds = array<i64: 1, 128>}, {pipeline_mode = #tpu.pipeline_mode<synchronous>, transform_indices = @transform_8, window_bounds = array<i64: 128, 16>}, {pipeline_mode = #tpu.pipeline_mode<synchronous>, transform_indices = @transform_9, window_bounds = array<i64: 1, 16>}, {pipeline_mode = #tpu.pipeline_mode<synchronous>, transform_indices = @transform_10, window_bounds = array<i64: 64, 16>}]} {
    %eq3A = arith.constant 0 : i32
    %eq3A_0 = arith.cmpi eq, %arg0, %eq3A : i32
    %convert_element_type3A = arith.extui %eq3A_0 : i1 to i32
    %cond3A = arith.constant 0 : i32
    %cond3A_1 = arith.cmpi ne, %convert_element_type3A, %cond3A : i32
    scf.if %cond3A_1 {
      %broadcast_in_dim3A_64 = arith.constant 0.000000e+00 : f32
      %broadcast_in_dim3A_65 = vector.broadcast %broadcast_in_dim3A_64 : f32 to vector<64x128xf32>
      %swap3A_66 = arith.constant 0 : index
      %swap3A_67 = arith.constant 0 : index
      %swap3A_68 = vector.load %arg12[%swap3A_66, %swap3A_67] : memref<64x128xf32, #tpu.memory_space<vmem>>, vector<64x128xf32>
      tpu.vector_store %arg12[%swap3A_66, %swap3A_67], %broadcast_in_dim3A_65 {strides = array<i32>} : memref<64x128xf32, #tpu.memory_space<vmem>>, vector<64x128xf32>,
      %broadcast_in_dim3A_69 = arith.constant 0.000000e+00 : f32
      %broadcast_in_dim3A_70 = vector.broadcast %broadcast_in_dim3A_69 : f32 to vector<64x128xf32>
      %swap3A_71 = arith.constant 0 : index
      %swap3A_72 = arith.constant 0 : index
      %swap3A_73 = vector.load %arg13[%swap3A_71, %swap3A_72] : memref<64x128xf32, #tpu.memory_space<vmem>>, vector<64x128xf32>
      tpu.vector_store %arg13[%swap3A_71, %swap3A_72], %broadcast_in_dim3A_70 {strides = array<i32>} : memref<64x128xf32, #tpu.memory_space<vmem>>, vector<64x128xf32>,
    } else {
    }
    %get3A = arith.constant 0 : index
    %get3A_2 = arith.constant 0 : index
    %get3A_3 = arith.constant 0 : index
    %get3A_4 = vector.load %arg1[%get3A, %get3A_2, %get3A_3] : memref<1x400x128xf32, #tpu.memory_space<vmem>>, vector<1x400x128xf32>
    %get3A_5 = vector.shape_cast %get3A_4 : vector<1x400x128xf32> to vector<400x128xf32>
    %get3A_6 = arith.constant 0 : index
    %get3A_7 = arith.constant 0 : index
    %get3A_8 = arith.constant 0 : index
    %get3A_9 = vector.load %arg2[%get3A_6, %get3A_7, %get3A_8] : memref<1x400x128xf32, #tpu.memory_space<vmem>>, vector<1x400x128xf32>
    %get3A_10 = vector.shape_cast %get3A_9 : vector<1x400x128xf32> to vector<400x128xf32>
    %add3A = arith.addf %get3A_5, %get3A_10 : vector<400x128xf32>
    %get3A_11 = arith.constant 0 : index
    %get3A_12 = arith.constant 0 : index
    %get3A_13 = vector.load %arg4[%get3A_11, %get3A_12] : memref<400x8xf32, #tpu.memory_space<vmem>>, vector<400x8xf32>
    %slice3A = vector.extract_strided_slice %get3A_13 {offsets = [0, 0], sizes = [400, 1], strides = [1, 1]} : vector<400x8xf32> to vector<400x1xf32>
    %mul3A = vector.broadcast %slice3A : vector<400x1xf32> to vector<400x128xf32>
    %mul3A_14 = arith.mulf %add3A, %mul3A : vector<400x128xf32>
    %get3A_15 = arith.constant 0 : index
    %get3A_16 = arith.constant 0 : index
    %get3A_17 = vector.load %arg6[%get3A_15, %get3A_16] : memref<128x128xf32, #tpu.memory_space<vmem>>, vector<128x128xf32>
    %dot_general3A = arith.constant dense<0.000000e+00> : vector<400x128xf32>
    %dot_general3A_18 = tpu.matmul %mul3A_14, %get3A_17, %dot_general3A {dimension_numbers = #tpu.dot_dimension_numbers<[1], [0], [0], [1], [0, 0, 1, 1], [], []>, transpose_lhs_hint = false} : vector<400x128xf32>, vector<128x128xf32>, vector<400x128xf32> -> vector<400x128xf32>
    %get3A_19 = arith.constant 0 : index
    %get3A_20 = arith.constant 0 : index
    %get3A_21 = vector.load %arg3[%get3A_19, %get3A_20] : memref<400x128xf32, #tpu.memory_space<vmem>>, vector<400x128xf32>
    %get3A_22 = arith.constant 0 : index
    %get3A_23 = arith.constant 0 : index
    %get3A_24 = vector.load %arg7[%get3A_22, %get3A_23] : memref<128x128xf32, #tpu.memory_space<vmem>>, vector<128x128xf32>
    %dot_general3A_25 = arith.constant dense<0.000000e+00> : vector<400x128xf32>
    %dot_general3A_26 = tpu.matmul %get3A_21, %get3A_24, %dot_general3A_25 {dimension_numbers = #tpu.dot_dimension_numbers<[1], [0], [0], [1], [0, 0, 1, 1], [], []>, transpose_lhs_hint = false} : vector<400x128xf32>, vector<128x128xf32>, vector<400x128xf32> -> vector<400x128xf32>
    %add3A_27 = arith.addf %dot_general3A_18, %dot_general3A_26 : vector<400x128xf32>
    %get3A_28 = arith.constant 0 : index
    %get3A_29 = arith.constant 0 : index
    %get3A_30 = vector.load %arg8[%get3A_28, %get3A_29] : memref<1x128xf32, #tpu.memory_space<vmem>>, vector<1x128xf32>
    %add3A_31 = vector.broadcast %get3A_30 : vector<1x128xf32> to vector<400x128xf32>
    %add3A_32 = arith.addf %add3A_27, %add3A_31 : vector<400x128xf32>
    %get3A_33 = arith.constant 0 : index
    %get3A_34 = arith.constant 0 : index
    %get3A_35 = arith.constant 0 : index
    %get3A_36 = vector.load %arg5[%get3A_33, %get3A_34, %get3A_35] : memref<1x1x400xi32, #tpu.memory_space<vmem>>, vector<1x1x400xi32>
    %reshape3A = vector.shape_cast %get3A_36 : vector<1x1x400xi32> to vector<1x400xi32>
    %iota3A = tpu.iota {dimensions = array<i32: 0>} : vector<64x400xi32>
    %eq3A_37 = vector.broadcast %reshape3A : vector<1x400xi32> to vector<64x400xi32>
    %eq3A_38 = arith.cmpi eq, %iota3A, %eq3A_37 : vector<64x400xi32>
    %convert_element_type3A_39 = arith.extui %eq3A_38 : vector<64x400xi1> to vector<64x400xi32>
    %convert_element_type3A_40 = arith.sitofp %convert_element_type3A_39 : vector<64x400xi32> to vector<64x400xf32>
    %get3A_41 = arith.constant 0 : index
    %get3A_42 = arith.constant 0 : index
    %get3A_43 = vector.load %arg12[%get3A_41, %get3A_42] : memref<64x128xf32, #tpu.memory_space<vmem>>, vector<64x128xf32>
    %dot_general3A_44 = arith.constant dense<0.000000e+00> : vector<64x128xf32>
    %dot_general3A_45 = tpu.matmul %convert_element_type3A_40, %add3A_32, %dot_general3A_44 {dimension_numbers = #tpu.dot_dimension_numbers<[1], [0], [0], [1], [0, 0, 1, 1], [], []>, transpose_lhs_hint = false} : vector<64x400xf32>, vector<400x128xf32>, vector<64x128xf32> -> vector<64x128xf32>
    %add3A_46 = arith.addf %get3A_43, %dot_general3A_45 : vector<64x128xf32>
    %swap3A = arith.constant 0 : index
    %swap3A_47 = arith.constant 0 : index
    %swap3A_48 = vector.load %arg12[%swap3A, %swap3A_47] : memref<64x128xf32, #tpu.memory_space<vmem>>, vector<64x128xf32>
    tpu.vector_store %arg12[%swap3A, %swap3A_47], %add3A_46 {strides = array<i32>} : memref<64x128xf32, #tpu.memory_space<vmem>>, vector<64x128xf32>,
    %get3A_49 = arith.constant 0 : index
    %get3A_50 = arith.constant 0 : index
    %get3A_51 = vector.load %arg13[%get3A_49, %get3A_50] : memref<64x128xf32, #tpu.memory_space<vmem>>, vector<64x128xf32>
    %reduce_sum3A = arith.constant dense<0.000000e+00> : vector<64xf32>
    %reduce_sum3A_52 = vector.multi_reduction <add>, %convert_element_type3A_40, %reduce_sum3A [1] : vector<64x400xf32> to vector<64xf32>
    %broadcast_in_dim3A = vector.shape_cast %reduce_sum3A_52 : vector<64xf32> to vector<64x1xf32>
    %broadcast_in_dim3A_53 = vector.shape_cast %broadcast_in_dim3A : vector<64x1xf32> to vector<64x1xf32>
    %broadcast_in_dim3A_54 = vector.broadcast %broadcast_in_dim3A_53 : vector<64x1xf32> to vector<64x128xf32>
    %add3A_55 = arith.addf %get3A_51, %broadcast_in_dim3A_54 : vector<64x128xf32>
    %swap3A_56 = arith.constant 0 : index
    %swap3A_57 = arith.constant 0 : index
    %swap3A_58 = vector.load %arg13[%swap3A_56, %swap3A_57] : memref<64x128xf32, #tpu.memory_space<vmem>>, vector<64x128xf32>
    tpu.vector_store %arg13[%swap3A_56, %swap3A_57], %add3A_55 {strides = array<i32>} : memref<64x128xf32, #tpu.memory_space<vmem>>, vector<64x128xf32>,
    %eq3A_59 = arith.constant 24 : i32
    %eq3A_60 = arith.cmpi eq, %arg0, %eq3A_59 : i32
    %convert_element_type3A_61 = arith.extui %eq3A_60 : i1 to i32
    %cond3A_62 = arith.constant 0 : i32
    %cond3A_63 = arith.cmpi ne, %convert_element_type3A_61, %cond3A_62 : i32
    scf.if %cond3A_63 {
      %get3A_64 = arith.constant 0 : index
      %get3A_65 = arith.constant 0 : index
      %get3A_66 = vector.load %arg12[%get3A_64, %get3A_65] : memref<64x128xf32, #tpu.memory_space<vmem>>, vector<64x128xf32>
      %get3A_67 = arith.constant 0 : index
      %get3A_68 = arith.constant 0 : index
      %get3A_69 = vector.load %arg13[%get3A_67, %get3A_68] : memref<64x128xf32, #tpu.memory_space<vmem>>, vector<64x128xf32>
      %max3A = arith.constant 1.000000e+00 : f32
      %max3A_70 = vector.broadcast %max3A : f32 to vector<64x128xf32>
      %max3A_71 = arith.maximumf %get3A_69, %max3A_70 : vector<64x128xf32>
      %div3A = arith.divf %get3A_66, %max3A_71 : vector<64x128xf32>
      %get3A_72 = arith.constant 0 : index
      %get3A_73 = arith.constant 0 : index
      %get3A_74 = vector.load %arg9[%get3A_72, %get3A_73] : memref<128x16xf32, #tpu.memory_space<vmem>>, vector<128x16xf32>
      %dot_general3A_75 = arith.constant dense<0.000000e+00> : vector<64x16xf32>
      %dot_general3A_76 = tpu.matmul %div3A, %get3A_74, %dot_general3A_75 {dimension_numbers = #tpu.dot_dimension_numbers<[1], [0], [0], [1], [0, 0, 1, 1], [], []>, transpose_lhs_hint = false} : vector<64x128xf32>, vector<128x16xf32>, vector<64x16xf32> -> vector<64x16xf32>
      %get3A_77 = arith.constant 0 : index
      %get3A_78 = arith.constant 0 : index
      %get3A_79 = vector.load %arg10[%get3A_77, %get3A_78] : memref<1x16xf32, #tpu.memory_space<vmem>>, vector<1x16xf32>
      %add3A_80 = vector.broadcast %get3A_79 : vector<1x16xf32> to vector<64x16xf32>
      %add3A_81 = arith.addf %dot_general3A_76, %add3A_80 : vector<64x16xf32>
      %swap3A_82 = arith.constant 0 : index
      %swap3A_83 = arith.constant 0 : index
      %swap3A_84 = vector.load %arg11[%swap3A_82, %swap3A_83] : memref<64x16xf32, #tpu.memory_space<vmem>>, vector<64x16xf32>
      tpu.vector_store %arg11[%swap3A_82, %swap3A_83], %add3A_81 {strides = array<i32>} : memref<64x16xf32, #tpu.memory_space<vmem>>, vector<64x16xf32>,
    } else {
    }
    return
  }
  func.func @transform_0(%arg0: i32) -> (i32, i32, i32) {
    %c0_i32 = arith.constant 0 : i32
    %c0_i32_0 = arith.constant 0 : i32
    %c0_i32_1 = arith.constant 0 : i32
    return %c0_i32, %arg0, %c0_i32_0 : i32, i32, i32
  }
  func.func @transform_1(%arg0: i32) -> (i32, i32, i32) {
    %c1_i32 = arith.constant 1 : i32
    %c0_i32 = arith.constant 0 : i32
    %c0_i32_0 = arith.constant 0 : i32
    return %c1_i32, %arg0, %c0_i32 : i32, i32, i32
  }
  func.func @transform_2(%arg0: i32) -> (i32, i32) {
    %c0_i32 = arith.constant 0 : i32
    %c0_i32_0 = arith.constant 0 : i32
    return %arg0, %c0_i32 : i32, i32
  }
  func.func @transform_3(%arg0: i32) -> (i32, i32) {
    %c0_i32 = arith.constant 0 : i32
    %c0_i32_0 = arith.constant 0 : i32
    return %arg0, %c0_i32 : i32, i32
  }
  func.func @transform_4(%arg0: i32) -> (i32, i32, i32) {
    %c0_i32 = arith.constant 0 : i32
    %c0_i32_0 = arith.constant 0 : i32
    %c0_i32_1 = arith.constant 0 : i32
    return %arg0, %c0_i32, %c0_i32_0 : i32, i32, i32
  }
  func.func @transform_5(%arg0: i32) -> (i32, i32) {
    %c0_i32 = arith.constant 0 : i32
    %c0_i32_0 = arith.constant 0 : i32
    %c0_i32_1 = arith.constant 0 : i32
    return %c0_i32, %c0_i32_0 : i32, i32
  }
  func.func @transform_6(%arg0: i32) -> (i32, i32) {
    %c0_i32 = arith.constant 0 : i32
    %c0_i32_0 = arith.constant 0 : i32
    %c0_i32_1 = arith.constant 0 : i32
    return %c0_i32, %c0_i32_0 : i32, i32
  }
  func.func @transform_7(%arg0: i32) -> (i32, i32) {
    %c0_i32 = arith.constant 0 : i32
    %c0_i32_0 = arith.constant 0 : i32
    %c0_i32_1 = arith.constant 0 : i32
    return %c0_i32, %c0_i32_0 : i32, i32
  }
  func.func @transform_8(%arg0: i32) -> (i32, i32) {
    %c0_i32 = arith.constant 0 : i32
    %c0_i32_0 = arith.constant 0 : i32
    %c0_i32_1 = arith.constant 0 : i32
    return %c0_i32, %c0_i32_0 : i32, i32
  }
  func.func @transform_9(%arg0: i32) -> (i32, i32) {
    %c0_i32 = arith.constant 0 : i32
    %c0_i32_0 = arith.constant 0 : i32
    %c0_i32_1 = arith.constant 0 : i32
    return %c0_i32, %c0_i32_0 : i32, i32
  }
  func.func @transform_10(%arg0: i32) -> (i32, i32) {
    %c0_i32 = arith.constant 0 : i32
    %c0_i32_0 = arith.constant 0 : i32
    %c0_i32_1 = arith.constant 0 : i32
    return %c0_i32, %c0_i32_0 : i32, i32
  }
}

module attributes {stable_mosaic.version = 14 : i64} {
  func.func @_tc1_body(%arg0: i32, %arg1: memref<1x400x128xf32, #tpu.memory_space<vmem>>, %arg2: memref<1x400x128xf32, #tpu.memory_space<vmem>>, %arg3: memref<1x400x128xf32, #tpu.memory_space<vmem>>, %arg4: memref<1x400x128xf32, #tpu.memory_space<vmem>>, %arg5: memref<400x128xf32, #tpu.memory_space<vmem>>, %arg6: memref<128x128xf32, #tpu.memory_space<vmem>>, %arg7: memref<128x128xf32, #tpu.memory_space<vmem>>, %arg8: memref<1x128xf32, #tpu.memory_space<vmem>>, %arg9: memref<400x128xf32, #tpu.memory_space<vmem>>, %arg10: memref<400x8xf32, #tpu.memory_space<vmem>>) attributes {dimension_semantics = [#tpu.dimension_semantics<arbitrary>], iteration_bounds = array<i64: 25>, scalar_prefetch = 0 : i64, scratch_operands = 0 : i64, tpu.core_type = #tpu.core_type<tc>, window_params = [{transform_indices = @transform_0, window_bounds = array<i64: 1, 400, 128>}, {transform_indices = @transform_1, window_bounds = array<i64: 1, 400, 128>}, {transform_indices = @transform_2, window_bounds = array<i64: 1, 400, 128>}, {transform_indices = @transform_3, window_bounds = array<i64: 1, 400, 128>}, {transform_indices = @transform_4, window_bounds = array<i64: 400, 128>}, {pipeline_mode = #tpu.pipeline_mode<synchronous>, transform_indices = @transform_5, window_bounds = array<i64: 128, 128>}, {pipeline_mode = #tpu.pipeline_mode<synchronous>, transform_indices = @transform_6, window_bounds = array<i64: 128, 128>}, {pipeline_mode = #tpu.pipeline_mode<synchronous>, transform_indices = @transform_7, window_bounds = array<i64: 1, 128>}, {transform_indices = @transform_8, window_bounds = array<i64: 400, 128>}, {transform_indices = @transform_9, window_bounds = array<i64: 400, 8>}]} {
    %get3A = arith.constant 0 : index
    %get3A_0 = arith.constant 0 : index
    %get3A_1 = arith.constant 0 : index
    %get3A_2 = vector.load %arg3[%get3A, %get3A_0, %get3A_1] : memref<1x400x128xf32, #tpu.memory_space<vmem>>, vector<1x400x1xf32>
    %get3A_3 = vector.shape_cast %get3A_2 : vector<1x400x1xf32> to vector<400x1xf32>
    %get3A_4 = arith.constant 0 : index
    %get3A_5 = arith.constant 0 : index
    %get3A_6 = arith.constant 0 : index
    %get3A_7 = vector.load %arg4[%get3A_4, %get3A_5, %get3A_6] : memref<1x400x128xf32, #tpu.memory_space<vmem>>, vector<1x400x1xf32>
    %get3A_8 = vector.shape_cast %get3A_7 : vector<1x400x1xf32> to vector<400x1xf32>
    %add3A = arith.addf %get3A_3, %get3A_8 : vector<400x1xf32>
    %max3A = arith.constant 1.000000e+00 : f32
    %max3A_9 = vector.broadcast %max3A : f32 to vector<400x1xf32>
    %max3A_10 = arith.maximumf %add3A, %max3A_9 : vector<400x1xf32>
    %div3A = arith.constant 1.000000e+00 : f32
    %div3A_11 = vector.broadcast %div3A : f32 to vector<400x1xf32>
    %div3A_12 = arith.divf %div3A_11, %max3A_10 : vector<400x1xf32>
    %get3A_13 = arith.constant 0 : index
    %get3A_14 = arith.constant 0 : index
    %get3A_15 = arith.constant 0 : index
    %get3A_16 = vector.load %arg1[%get3A_13, %get3A_14, %get3A_15] : memref<1x400x128xf32, #tpu.memory_space<vmem>>, vector<1x400x128xf32>
    %get3A_17 = vector.shape_cast %get3A_16 : vector<1x400x128xf32> to vector<400x128xf32>
    %get3A_18 = arith.constant 0 : index
    %get3A_19 = arith.constant 0 : index
    %get3A_20 = arith.constant 0 : index
    %get3A_21 = vector.load %arg2[%get3A_18, %get3A_19, %get3A_20] : memref<1x400x128xf32, #tpu.memory_space<vmem>>, vector<1x400x128xf32>
    %get3A_22 = vector.shape_cast %get3A_21 : vector<1x400x128xf32> to vector<400x128xf32>
    %add3A_23 = arith.addf %get3A_17, %get3A_22 : vector<400x128xf32>
    %mul3A = vector.broadcast %div3A_12 : vector<400x1xf32> to vector<400x128xf32>
    %mul3A_24 = arith.mulf %add3A_23, %mul3A : vector<400x128xf32>
    %get3A_25 = arith.constant 0 : index
    %get3A_26 = arith.constant 0 : index
    %get3A_27 = vector.load %arg6[%get3A_25, %get3A_26] : memref<128x128xf32, #tpu.memory_space<vmem>>, vector<128x128xf32>
    %dot_general3A = arith.constant dense<0.000000e+00> : vector<400x128xf32>
    %dot_general3A_28 = tpu.matmul %mul3A_24, %get3A_27, %dot_general3A {dimension_numbers = #tpu.dot_dimension_numbers<[1], [0], [0], [1], [0, 0, 1, 1], [], []>, transpose_lhs_hint = false} : vector<400x128xf32>, vector<128x128xf32>, vector<400x128xf32> -> vector<400x128xf32>
    %get3A_29 = arith.constant 0 : index
    %get3A_30 = arith.constant 0 : index
    %get3A_31 = vector.load %arg5[%get3A_29, %get3A_30] : memref<400x128xf32, #tpu.memory_space<vmem>>, vector<400x128xf32>
    %get3A_32 = arith.constant 0 : index
    %get3A_33 = arith.constant 0 : index
    %get3A_34 = vector.load %arg7[%get3A_32, %get3A_33] : memref<128x128xf32, #tpu.memory_space<vmem>>, vector<128x128xf32>
    %dot_general3A_35 = arith.constant dense<0.000000e+00> : vector<400x128xf32>
    %dot_general3A_36 = tpu.matmul %get3A_31, %get3A_34, %dot_general3A_35 {dimension_numbers = #tpu.dot_dimension_numbers<[1], [0], [0], [1], [0, 0, 1, 1], [], []>, transpose_lhs_hint = false} : vector<400x128xf32>, vector<128x128xf32>, vector<400x128xf32> -> vector<400x128xf32>
    %add3A_37 = arith.addf %dot_general3A_28, %dot_general3A_36 : vector<400x128xf32>
    %get3A_38 = arith.constant 0 : index
    %get3A_39 = arith.constant 0 : index
    %get3A_40 = vector.load %arg8[%get3A_38, %get3A_39] : memref<1x128xf32, #tpu.memory_space<vmem>>, vector<1x128xf32>
    %add3A_41 = vector.broadcast %get3A_40 : vector<1x128xf32> to vector<400x128xf32>
    %add3A_42 = arith.addf %add3A_37, %add3A_41 : vector<400x128xf32>
    %max3A_43 = arith.constant 0.000000e+00 : f32
    %max3A_44 = vector.broadcast %max3A_43 : f32 to vector<400x128xf32>
    %max3A_45 = arith.maximumf %add3A_42, %max3A_44 : vector<400x128xf32>
    %swap3A = arith.constant 0 : index
    %swap3A_46 = arith.constant 0 : index
    %swap3A_47 = vector.load %arg9[%swap3A, %swap3A_46] : memref<400x128xf32, #tpu.memory_space<vmem>>, vector<400x128xf32>
    tpu.vector_store %arg9[%swap3A, %swap3A_46], %max3A_45 {strides = array<i32>} : memref<400x128xf32, #tpu.memory_space<vmem>>, vector<400x128xf32>,
    %broadcast_in_dim3A = vector.shape_cast %div3A_12 : vector<400x1xf32> to vector<400x1xf32>
    %broadcast_in_dim3A_48 = vector.broadcast %broadcast_in_dim3A : vector<400x1xf32> to vector<400x8xf32>
    %swap3A_49 = arith.constant 0 : index
    %swap3A_50 = arith.constant 0 : index
    %swap3A_51 = vector.load %arg10[%swap3A_49, %swap3A_50] : memref<400x8xf32, #tpu.memory_space<vmem>>, vector<400x8xf32>
    tpu.vector_store %arg10[%swap3A_49, %swap3A_50], %broadcast_in_dim3A_48 {strides = array<i32>} : memref<400x8xf32, #tpu.memory_space<vmem>>, vector<400x8xf32>,
    return
  }
  func.func @transform_0(%arg0: i32) -> (i32, i32, i32) {
    %c0_i32 = arith.constant 0 : i32
    %c0_i32_0 = arith.constant 0 : i32
    %c0_i32_1 = arith.constant 0 : i32
    return %c0_i32, %arg0, %c0_i32_0 : i32, i32, i32
  }
  func.func @transform_1(%arg0: i32) -> (i32, i32, i32) {
    %c1_i32 = arith.constant 1 : i32
    %c0_i32 = arith.constant 0 : i32
    %c0_i32_0 = arith.constant 0 : i32
    return %c1_i32, %arg0, %c0_i32 : i32, i32, i32
  }
  func.func @transform_2(%arg0: i32) -> (i32, i32, i32) {
    %c0_i32 = arith.constant 0 : i32
    %c0_i32_0 = arith.constant 0 : i32
    %c0_i32_1 = arith.constant 0 : i32
    return %c0_i32, %arg0, %c0_i32_0 : i32, i32, i32
  }
  func.func @transform_3(%arg0: i32) -> (i32, i32, i32) {
    %c1_i32 = arith.constant 1 : i32
    %c0_i32 = arith.constant 0 : i32
    %c0_i32_0 = arith.constant 0 : i32
    return %c1_i32, %arg0, %c0_i32 : i32, i32, i32
  }
  func.func @transform_4(%arg0: i32) -> (i32, i32) {
    %c0_i32 = arith.constant 0 : i32
    %c0_i32_0 = arith.constant 0 : i32
    return %arg0, %c0_i32 : i32, i32
  }
  func.func @transform_5(%arg0: i32) -> (i32, i32) {
    %c0_i32 = arith.constant 0 : i32
    %c0_i32_0 = arith.constant 0 : i32
    %c0_i32_1 = arith.constant 0 : i32
    return %c0_i32, %c0_i32_0 : i32, i32
  }
  func.func @transform_6(%arg0: i32) -> (i32, i32) {
    %c0_i32 = arith.constant 0 : i32
    %c0_i32_0 = arith.constant 0 : i32
    %c0_i32_1 = arith.constant 0 : i32
    return %c0_i32, %c0_i32_0 : i32, i32
  }
  func.func @transform_7(%arg0: i32) -> (i32, i32) {
    %c0_i32 = arith.constant 0 : i32
    %c0_i32_0 = arith.constant 0 : i32
    %c0_i32_1 = arith.constant 0 : i32
    return %c0_i32, %c0_i32_0 : i32, i32
  }
  func.func @transform_8(%arg0: i32) -> (i32, i32) {
    %c0_i32 = arith.constant 0 : i32
    %c0_i32_0 = arith.constant 0 : i32
    return %arg0, %c0_i32 : i32, i32
  }
  func.func @transform_9(%arg0: i32) -> (i32, i32) {
    %c0_i32 = arith.constant 0 : i32
    %c0_i32_0 = arith.constant 0 : i32
    return %arg0, %c0_i32 : i32, i32
  }
}

</mosaic_0001>

<sc_bundles>
// kernel: kernel.10.cloned.1.call-start
scs
__scs_entry_jumppad:
0x0: {  	(pc) =	sbr.rel $0x88, $3  }
0x1: {  	(tag) =	ssettag $0x0;
	lr =	simm.s32 $0x1  }
0x2: {  	[smem:$0x3F96] =	sst lr;
	_ =	strace $0xD0000000  }
0x3: {  	_ = 	snop  }
0x4: {  	_ = 	snop  }
0x5: {  	_ = 	snop  }
0x6: {  	_ = 	snop  }
0x7: {  	_ = 	snop  }
__scs_overlays_trampoline_lowered:
0x8: {  	[smem:$0x3FA5] =	sst s0  }
0x9: {  	[smem:$0x3FA6] =	sst s1  }
0xa: {  	[smem:$0x3FA7] =	sst s2  }
0xb: {  	[smem:$0x3FA8] =	sst s3  }
0xc: {  	[smem:$0x3FA9] =	sst s4  }
0xd: {  	[smem:$0x3FAA] =	sst s5  }
0xe: {  	[smem:$0x3FAB] =	sst s6  }
0xf: {  	[smem:$0x3FAC] =	sst s7  }
0x10: {  	[smem:$0x3FAD] =	sst s8  }
0x11: {  	[smem:$0x3FAE] =	sst s9;
	s0 =	simm.s32 @!p0 $0x0  }
0x12: {  	s1 =	sld [smem:$0x3F94];
	s0 =	simm.s32 @p0 $0x1  }
0x13: {  	[smem:$0x3FAF] =	sst s0;
	s0 =	simm.s32 @!p1 $0x0  }
0x14: {  	s2 =	sld [smem:$0x3F93];
	s0 =	simm.s32 @p1 $0x1  }
0x15: {  	[smem:$0x3FB0] =	sst s0;
	s0 =	simm.s32 @!p2 $0x0  }
0x16: {  	s3 =	sld [smem:$0x3FDB];
	s0 =	simm.s32 @p2 $0x1  }
0x17: {  	s4 =	simm.s32 $0x1BF5;
	[smem:$0x3FB2] =	sst s0  }
0x18: {  	s0 =	sld [smem:$0x3F95];
	_ =	swait.ge [sflag:s4], $0x0  }
0x19: {  	s7 =	sld [smem:$0x3F96]  }
0x1a: {  	s8 =	sadd.s32 $0xFFFFE003, lr  }
0x1b: {  	s9 =	sadd.s32 $0xFFFFFEF7, lr;
	s5 =	simm.s32 $0xFFFFFFFF;
	p2 =	slt.u32 s8, $0xFFFFF086  }
0x1c: {  	p1 =	slt.u32 s9, $0xF7A;
	s5 =	simm.s32 @!p2 $0x0  }
0x1d: {  	s5 =	simm.s32 @p1 $0x1;
	p0 =	seq.s32 s7, s2  }
0x1e: {  	s7 =	smul.u32 @!p0 $0xF7A, s2;
	p2 =	seq.s32 @!p0 s5, $0x0  }
0x1f: {  	s9 =	smul.u32 $0xF7A, s1;
	s8 =	simm.s32 @!p0 $0x1BF5;
	p2 =	por !p2, p0  }
0x20: {  	[sflag:s8] =	ssyncset.s32 @!p0 $0xFFFFF086;
	s6 =	sadd.s32 @!p0 s3, s7;
	s7 =	simm.s32 @!p0 $0x108  }
0x21: {  	s3 =	sadd.s32 s3, s9;
	s6 =	sadd.s32 @!p0 $0x88, s6;
	s7 =	simm.s32 @p2 $0x1082  }
0x22: {  	[simem:s7], [sflag:s8] =	dma.local @!p0 [hbm:s6], $0xF7A  }
0x23: {  	s9 =	sor.u32 $0xD0000000, s2;
	s6 =	simm.s32 $0x108;
	_ =	swait.ge @!p0 [sflag:s8], $0x0  }
0x24: {  	s3 =	sadd.s32 $0x88, s3;
	s6 =	simm.s32 @!p1 $0x1082;
	[sflag:s4] =	ssyncset.s32 $0xFFFFF086  }
0x25: {  	[simem:s6], [sflag:s4] =	dma.local [hbm:s3], $0xF7A  }
0x26: {  	[smem:$0x3F96] =	sst s1;
	(tag) =	ssettag s2;
	_ =	strace s9  }
0x27: {  	s1 =	sld [smem:$0x3FA6]  }
0x28: {  	s2 =	sld [smem:$0x3FA7]  }
0x29: {  	s4 =	sld [smem:$0x3FA9]  }
0x2a: {  	p0 =	seq.s32 s5, $0x0;
	s5 =	sld [smem:$0x3FAA]  }
0x2b: {  	s6 =	sld [smem:$0x3FAB]  }
0x2c: {  	s7 =	sld [smem:$0x3FAC]  }
0x2d: {  	s3 =	simm.s32 $0x108;
	s8 =	sld [smem:$0x3FAD]  }
0x2e: {  	s3 =	simm.s32 @!p0 $0x1082;
	s9 =	sld [smem:$0x3FAE]  }
0x2f: {  	lr =	sadd.s32 s0, s3;
	s0 =	sld [smem:$0x3FA5]  }
0x30: {  	s3 =	sld [smem:$0x3FA8]  }
0x31: {  	[smem:$0x3FB1] =	sst s10  }
0x32: {  	s10 =	sld [smem:$0x3FAF];
	_ =	sdelay $0x3  }
0x33: {  	p0 =	seq.s32 s10, $0x1;
	s10 =	sld [smem:$0x3FB1];
	_ =	sdelay $0x3  }
0x34: {  	[smem:$0x3FB1] =	sst s10  }
0x35: {  	s10 =	sld [smem:$0x3FB0];
	_ =	sdelay $0x3  }
0x36: {  	p1 =	seq.s32 s10, $0x1;
	s10 =	sld [smem:$0x3FB1];
	_ =	sdelay $0x3  }
0x37: {  	[smem:$0x3FB1] =	sst s10  }
0x38: {  	s10 =	sld [smem:$0x3FB2]  }
0x39: {  	_ = 	snop;
	(pc) =	sbr.ind lr, $3  }
0x3a: {  	_ = 	snop  }
0x3b: {  	_ = 	snop  }
0x3c: {  	p2 =	seq.s32 s10, $0x1;
	s10 =	sld [smem:$0x3FB1]  }
0x3d: {  	_ =	shalt  }
0x3e: {  	_ =	shalt  }
0x3f: {  	_ =	shalt  }
0x40: {  	_ =	shalt  }
0x41: {  	_ =	shalt  }
0x42: {  	_ =	shalt  }
0x43: {  	_ =	shalt  }
0x44: {  	_ =	shalt  }
0x45: {  	_ =	shalt  }
0x46: {  	_ =	shalt  }
0x47: {  	_ =	shalt  }
0x48: {  	_ =	shalt  }
0x49: {  	_ =	shalt  }
0x4a: {  	_ =	shalt  }
0x4b: {  	_ =	shalt  }
0x4c: {  	_ =	shalt  }
0x4d: {  	_ =	shalt  }
0x4e: {  	_ =	shalt  }
0x4f: {  	_ =	shalt  }
0x50: {  	_ =	shalt  }
0x51: {  	_ =	shalt  }
0x52: {  	_ =	shalt  }
0x53: {  	_ =	shalt  }
0x54: {  	_ =	shalt  }
0x55: {  	_ =	shalt  }
0x56: {  	_ =	shalt  }
0x57: {  	_ =	shalt  }
0x58: {  	_ =	shalt  }
0x59: {  	_ =	shalt  }
0x5a: {  	_ =	shalt  }
0x5b: {  	_ =	shalt  }
0x5c: {  	_ =	shalt  }
0x5d: {  	_ =	shalt  }
0x5e: {  	_ =	shalt  }
0x5f: {  	_ =	shalt  }
0x60: {  	_ =	shalt  }
0x61: {  	_ =	shalt  }
0x62: {  	_ =	shalt  }
0x63: {  	_ =	shalt  }
0x64: {  	_ =	shalt  }
0x65: {  	_ =	shalt  }
0x66: {  	_ =	shalt  }
0x67: {  	_ =	shalt  }
0x68: {  	_ =	shalt  }
0x69: {  	_ =	shalt  }
0x6a: {  	_ =	shalt  }
0x6b: {  	_ =	shalt  }
0x6c: {  	_ =	shalt  }
0x6d: {  	_ =	shalt  }
0x6e: {  	_ =	shalt  }
0x6f: {  	_ =	shalt  }
0x70: {  	_ =	shalt  }
0x71: {  	_ =	shalt  }
0x72: {  	_ =	shalt  }
0x73: {  	_ =	shalt  }
0x74: {  	_ =	shalt  }
0x75: {  	_ =	shalt  }
0x76: {  	_ =	shalt  }
0x77: {  	_ =	shalt  }
0x78: {  	_ =	shalt  }
0x79: {  	_ =	shalt  }
0x7a: {  	_ =	shalt  }
0x7b: {  	_ =	shalt  }
0x7c: {  	_ =	shalt  }
0x7d: {  	_ =	shalt  }
0x7e: {  	_ =	shalt  }
0x7f: {  	_ =	shalt  }
0x80: {  	_ =	shalt  }
0x81: {  	_ =	shalt  }
0x82: {  	_ =	shalt  }
0x83: {  	_ =	shalt  }
0x84: {  	_ =	shalt  }
0x85: {  	_ =	shalt  }
0x86: {  	_ =	shalt  }
0x87: {  	_ =	shalt  }
.Lfunc_end0:
.L_simem_size_0:
called_computation.1_lowered:
.L_overlay_start_0:
0x88: {  	s2 =	sld [smem:$0x3FD9]  }
0x89: {  	s3 =	sld [smem:$0x3FFE];
	_ =	sdelay $0x1  }
0x8a: {  	s1 =	srdreg.scid  }
0x8b: {  	s0 =	sand.u32 $0x1, s1  }
0x8c: {  	s17 =	sshll.u32 s0, $0xA;
	s2 =	sadd.s32 s3, s2  }
0x8d: {  	s2 =	sadd.s32 s2, s17  }
0x8e: {  	[smem:$0x3FBD] =	sst s2  }
0x8f: {  	_ = 	snop  }
0x90: {  	s2 =	sld [smem:$0x3FC9];
	(tm) =	ssettm $0x1  }
0x91: {  	s18 =	sld [smem:$0x3FFB];
	_ =	sdelay $0x3  }
0x92: {  	_ =	strace s18  }
0x93: {  	s3 =	sld [smem:$0x3FFC];
	_ =	sdelay $0x3  }
0x94: {  	_ =	strace s3  }
0x95: {  	s3 =	sld [smem:$0x3FFD];
	_ =	sdelay $0x3  }
0x96: {  	_ =	strace s3  }
0x97: {  	_ =	strace $0x8FFFFFFF  }
0x98: {  	s19 =	sld [smem:$0x3FDB];
	_ =	sdelay $0x1  }
0x99: {  	s4 =	simm.s32 $_scs_section_size  }
0x9a: {  	s5 =	simm.s32 $_size__tile_overlayer_lowered;
	s6 =	simm.s32 $_tile_overlayer_lowered  }
0x9b: {  	s22 =	simm.s32 $0x1BFF;
	s21 =	sshll.u32 s6, $0x1;
	s3 =	sadd.s32 s4, s19  }
0x9c: {  	s7 =	simm.s32 $0x0;
	s20 =	sshll.u32 s5, $0x1;
	s5 =	sadd.s32 s21, s3  }
0x9d: {  	[timem:s7], [sflag:s22] =	dma.local [hbm:s5], s20  }
0x9e: {  	_ =	swait.ge [sflag:s22], s20  }
0x9f: {  	s4 =	ssub.s32 $0x0, s20;
	[sflag:s22] =	ssyncset.done $0x0  }
0xa0: {  	[sflag:s22] =	ssyncadd.s32 s4;
	_ =	sdelay $0x1  }
0xa1: {  	s23 =	simm.s32 $0x1B8B  }
0xa2: {  	_ =	swait.ge [sflag:s23], $0x1  }
0xa3: {  	[sflag:s23] =	ssyncset.done $0x0  }
0xa4: {  	s25 =	simm.s32 $0x1B8E;
	s24 =	sld [smem:$0x3FFE];
	[sflag:s23] =	ssyncadd.s32 $0xFFFFFFFF  }
0xa5: {  	s26 =	simm.s32 $execute0_lowered;
	[smem:$0x3FD2] =	sst s25  }
0xa6: {  	s5 =	sshll.u32 s26, $0x1;
	_ =	strace $0x80000046;
	[dreg:$0x1] =	wrdreg $0xFFFFFFFF  }
0xa7: {  	s28 =	simm.s32 $_size_execute0_lowered;
	s3 =	sadd.s32 s3, s5;
	[dreg:$0x0] =	wrdreg $0x0  }
0xa8: {  	s5 =	sshll.u32 s28, $0x1;
	[dreg:$0x2] =	wrdreg s3  }
0xa9: {  	[dreg:$0x3] =	wrdreg s5  }
0xaa: {  	[dreg:$0x4] =	wrdreg $0xC0  }
0xab: {  	_ =	task [dreg:s7], $0x5FFFF  }
0xac: {  	[dreg:$0x1] =	wrdreg $0xFFFFFFFF  }
0xad: {  	[dreg:$0x0] =	wrdreg $0x60  }
0xae: {  	[dreg:$0x2] =	wrdreg s2  }
0xaf: {  	[dreg:$0x3] =	wrdreg s24  }
0xb0: {  	[dreg:$0x4] =	wrdreg $0x90000  }
0xb1: {  	[dreg:$0x5] =	wrdreg $0xA  }
0xb2: {  	_ =	task.clear_ibuf [dreg:s7], $0x6FFFF;
	_ =	strace $0x90000046  }
0xb3: {  	s29 =	simm.s32 $0xA;
	_ =	strace $0x80000048  }
0xb4: {  	_ =	swait.ge [sflag:s29], $0x1  }
0xb5: {  	[sflag:s29] =	ssyncadd.s32 $0xFFFFFFFF  }
0xb6: {  	_ =	strace $0x90000048  }
0xb7: {  	_ =	sfence  }
0xb8: {  	s30 =	sld [smem:$0x0];
	_ =	sdelay $0x2  }
0xb9: {  	s31 =	sshll.u32 s1, $0xD;
	s1 =	sshrl.u32 s1, $0x2  }
0xba: {  	s3 =	sand.u32 $0x4000, s31;
	s1 =	sadd.s32 s1, s30  }
0xbb: {  	s0 =	sor.u32 s3, s0;
	s1 =	sshll.u32 s1, $0x11  }
0xbc: {  	s0 =	sor.u32 s1, s0  }
0xbd: {  	s0 =	sadd.s32 $0x8F2B, s0  }
0xbe: {  	[sflag:s0] =	ssyncadd.remote.s32 $0x1  }
0xbf: {  	_ =	sfence.sel $0xFFFF  }
0xc0: {  	[dreg:$0x0] =	wrdreg $0xFFFFFFFF;
	(pc) =	sbr.abs _section_cstart, $3  }
0xc1: {  	[dreg:$0x1] =	wrdreg $0xFFFFFFFF  }
0xc2: {  	_ =	task.clear_ibuf [dreg:s7], $0x2FFFF;
	_ =	strace $0x9FFFFFFF  }
0xc3: {  	(tm) =	ssettm $0x7FFFFFFF  }
tec
execute0_lowered:
.L_overlay_start_1:
0x0: {  	(tag) =	ssettag $0x1  }
0x1: {  	s1 =	rddreg [dreg:$0x0]  }
0x2: {  	s2 =	srdreg.scid;
	s7 =	rddreg [dreg:$0x1]  }
0x3: {  	s0 =	stileid.u32;
	s3 =	rddreg [dreg:$0x2];
	s4 =	simm.s32 $0x0  }
0x4: {  	s14 =	simm.s32 $0x80;
	s15 =	simm.s32 $0x5000;
	s16 =	simm.s32 $0x1  }
0x5: {  	s17 =	simm.s32 $0x0;
	s6 =	sand.u32 $0x1, s2;
	s9 =	smul.u32 $0x13C00, s0  }
0x6: {  	s26 =	sshll.u32 s0, $0x1;
	[smem:$0x7FF] =	sst s4;
	s28 =	smul.u32 $0x4F000, s0  }
0x7: {  	s31 =	sshll.u32 s0, $0x6;
	s2 =	sor.u32 s6, s26;
	s8 =	smul.u32 $0x13C000, s6  }
0x8: {  	s6 =	ssub.s32 $0x2, s6;
	s5 =	smul.u32 $0x500, s2;
	s2 =	rddreg [dreg:$0x3]  }
0x9: {  	_ =	strace $0x80000047;
	s29 =	sshrl.u32 s6, $0x1;
	s30 =	sshrl.u32 s28, $0x2  }
0xa: {  	s8 =	sadd.s32 s9, s8;
	s12 =	ssub.s32 s6, s29;
	s13 =	sadd.s32 s30, s3  }
0xb: {  	s6 =	sor.u32 $0x1C02, s31;
	s10 =	sadd.s32 s5, s7;
	s8 =	sshrl.u32 s8, $0x3  }
0xc: {  	s5 =	sadd.s32 $0x16C00, s7;
	s11 =	sadd.s32 s8, s7;
	s7 =	sadd.s32 $0xCC00, s10  }
0xd: {  	s8 =	sadd.s32 $0x2C00, s10;
	s10 =	smax.u32 s12, $0x1;
	s12 =	simm.s32 $0x2  }
0xe: {  	s9 =	sadd.s32 $0x19400, s11;
	s11 =	sshrl.u32 s13, $0x3;
	s13 =	simm.s32 $0x2800  }
.LBB2_1:
0xf: {  	[spmem:s11], [sflag:s6] =	dma.local [hbm:s5], $0x2780  }
0x10: {  	_ =	swait.ge [sflag:s12], $0x2780  }
0x11: {  	[sflag:s12] =	ssyncset.done $0x0  }
0x12: {  	[sflag:s12] =	ssyncadd.s32 $0xFFFFD880  }
0x13: {  	[tilespmem:s4], [sflag:$0x2] =	stream.linear.gather [hbm4b:s7+s4], $0x2780, $0x38;
	[tilespmem:$0x1CC00] =	vst v63  }
0x14: {  	_ =	swait.ge [sflag:s12], $0x2780  }
0x15: {  	[sflag:s12] =	ssyncset.done $0x0  }
0x16: {  	[sflag:s12] =	ssyncadd.s32 $0xFFFFD880  }
0x17: {  	[tilespmem:s13], [sflag:$0x2] =	stream.linear.gather [hbm4b:s8+s4], $0x2780, $0x38;
	[tilespmem:$0x1CC00] =	vst v63  }
0x18: {  	_ =	swait.ge [sflag:s12], $0x2780  }
0x19: {  	[sflag:s12] =	ssyncset.done $0x0  }
0x1a: {  	[sflag:s12] =	ssyncadd.s32 $0xFFFFD880  }
0x1b: {  	s18 =	simm.s32 $0x0;
	[bflag:$0x0] =	sbarrier.arrive $0xFFFF  }
0x1c: {  	[tilespmem:s15], [sflag:$0x1] =	stream.indirect.gather [hbm4b:s1+s14], $0x80, s18, s14, $0xb8;
	[tilespmem:$0x1CC00] =	vst v63  }
0x1d: {  	_ =	swait.ge [sflag:s16], $0x4000  }
0x1e: {  	[sflag:s16] =	ssyncset.done $0x0  }
0x1f: {  	s31 =	simm.s32 $0x2800;
	[sflag:s16] =	ssyncadd.s32 $0xFFFFC000  }
0x20: {  	[spmem:s3] =	stream.indirect.scatter.add.f32 [tilespmem:s15], [sflag:$0x2], $0x80, s31, s14, $0xb8;
	[tilespmem:$0x1CC00] =	vst v63  }
0x21: {  	_ =	swait.ge [sflag:s12], $0x4000  }
0x22: {  	s19 =	simm.s32 $0x400;
	s18 =	simm.s32 $0x200;
	[sflag:s12] =	ssyncset.done $0x0  }
.LBB2_2:
0x23: {  	s20 =	sshra.s32 s18, $0x2  }
0x24: {  	[sflag:s12] =	ssyncadd.s32 $0xFFFFC000;
	s18 =	smov.u32 s19;
	s21 =	sadd.s32 $0x200, s19  }
0x25: {  	[tilespmem:s15], [sflag:$0x1] =	stream.indirect.gather [hbm4b:s1+s14], $0x80, s20, s14, $0xb8;
	[tilespmem:$0x1CC00] =	vst v63  }
0x26: {  	p0 =	sne.s32 s19, $0x9C00;
	_ =	swait.ge [sflag:s16], $0x4000  }
.Ltmp0:
0x27: {  	[sflag:s16] =	ssyncset.done $0x0;
	(pc) =	sbr.rel @p0 .LBB2_2-.Ltmp0, $4  }
0x28: {  	s19 =	sadd.s32 $0x2800, s20;
	[sflag:s16] =	ssyncadd.s32 $0xFFFFC000  }
0x29: {  	[spmem:s3] =	stream.indirect.scatter.add.f32 [tilespmem:s15], [sflag:$0x2], $0x80, s19, s14, $0xb8;
	[tilespmem:$0x1CC00] =	vst v63  }
0x2a: {  	_ =	swait.ge [sflag:s12], $0x4000  }
0x2b: {  	s19 =	smov.u32 s21;
	[sflag:s12] =	ssyncset.done $0x0  }
0x2c: {  	s18 =	sshra.s32 s18, $0x2;
	[sflag:s12] =	ssyncadd.s32 $0xFFFFC000  }
0x2d: {  	[tilespmem:s15], [sflag:$0x1] =	stream.indirect.gather [hbm4b:s1+s14], $0x80, s18, s14, $0xb8;
	[tilespmem:$0x1CC00] =	vst v63  }
0x2e: {  	_ =	swait.ge [sflag:s16], $0x4000  }
0x2f: {  	[sflag:s16] =	ssyncset.done $0x0  }
0x30: {  	s18 =	sadd.s32 $0x2800, s18;
	[sflag:s16] =	ssyncadd.s32 $0xFFFFC000  }
0x31: {  	[spmem:s3] =	stream.indirect.scatter.add.f32 [tilespmem:s15], [sflag:$0x2], $0x80, s18, s14, $0xb8;
	[tilespmem:$0x1CC00] =	vst v63  }
0x32: {  	_ =	swait.ge [sflag:s12], $0x4000  }
0x33: {  	s17 =	sadd.s32 $0x1, s17;
	[sflag:s12] =	ssyncset.done $0x0  }
0x34: {  	p0 =	sne.s32 s17, s10;
	[sflag:s12] =	ssyncadd.s32 $0xFFFFC000  }
.Ltmp1:
0x35: {  	[bflag:$0x0] =	sbarrier.arrive $0xFFFF;
	(pc) =	sbr.rel @p0 .LBB2_1-.Ltmp1, $4  }
0x36: {  	[hbm:s9], [sflag:s6] =	dma.local [spmem:s11], $0x2780  }
0x37: {  	_ =	swait.ge [sflag:s12], $0x2780  }
0x38: {  	[sflag:s12] =	ssyncset.done $0x0  }
0x39: {  	[sflag:s12] =	ssyncadd.s32 $0xFFFFD880  }
0x3a: {  	_ =	sfence.sel $0x180000  }
0x3b: {  	[bflag:$0x0] =	sbarrier.arrive $0xFFFF  }
0x3c: {  	p0 =	sne.s32 s0, $0x0;
	_ =	strace $0x90000047  }
0x3d: {  	s0 =	sadd.s32 @!p0 $0x100000, s2;
	[bflag:$0x2] =	sbarrier.arrive $0xFFFF  }
0x3e: {  	[sflag:s0] =	ssyncadd.tile.s32 @!p0 $0x1;
	_ =	shalt  }
.Lfunc_end2:
_tile_overlayer_lowered:
.L_overlay_start_2:
0x3f: {  	(tag) =	ssettag $0x2  }
0x40: {  	s0 =	rddreg [dreg:$0x0];
	s2 =	stileid.u32  }
0x41: {  	s1 =	rddreg [dreg:$0x1];
	p0 =	sne.s32 s2, $0x0  }
0x42: {  	s3 =	rddreg [dreg:$0x2];
	[bflag:$0x3] =	sbarrier.arrive $0xFFFF;
	s2 =	simm.s32 @!p0 $0x1C02  }
0x43: {  	[timem:s3], [sflag:s2] =	dma.local @!p0 [hbm:s0], s1  }
0x44: {  	s0 =	simm.s32 @!p0 $0x2  }
0x45: {  	_ =	swait.ge @!p0 [sflag:s0], s1  }
0x46: {  	s1 =	ssub.s32 @!p0 $0x0, s1;
	[sflag:s0] =	ssyncset.done @!p0 $0x0  }
0x47: {  	[sflag:s0] =	ssyncadd.s32 @!p0 s1  }
0x48: {  	[bflag:$0x3] =	sbarrier.arrive $0xFFFF  }
0x49: {  	_ =	shalt  }

// kernel: kernel.13.cloned.1.call-start
scs
__scs_entry_jumppad:
0x0: {  	(pc) =	sbr.rel $0x88, $3  }
0x1: {  	(tag) =	ssettag $0x0;
	lr =	simm.s32 $0x1  }
0x2: {  	[smem:$0x3F96] =	sst lr;
	_ =	strace $0xD0000000  }
0x3: {  	_ = 	snop  }
0x4: {  	_ = 	snop  }
0x5: {  	_ = 	snop  }
0x6: {  	_ = 	snop  }
0x7: {  	_ = 	snop  }
__scs_overlays_trampoline_lowered:
0x8: {  	[smem:$0x3FA5] =	sst s0  }
0x9: {  	[smem:$0x3FA6] =	sst s1  }
0xa: {  	[smem:$0x3FA7] =	sst s2  }
0xb: {  	[smem:$0x3FA8] =	sst s3  }
0xc: {  	[smem:$0x3FA9] =	sst s4  }
0xd: {  	[smem:$0x3FAA] =	sst s5  }
0xe: {  	[smem:$0x3FAB] =	sst s6  }
0xf: {  	[smem:$0x3FAC] =	sst s7  }
0x10: {  	[smem:$0x3FAD] =	sst s8  }
0x11: {  	[smem:$0x3FAE] =	sst s9;
	s0 =	simm.s32 @!p0 $0x0  }
0x12: {  	s1 =	sld [smem:$0x3F94];
	s0 =	simm.s32 @p0 $0x1  }
0x13: {  	[smem:$0x3FAF] =	sst s0;
	s0 =	simm.s32 @!p1 $0x0  }
0x14: {  	s2 =	sld [smem:$0x3F93];
	s0 =	simm.s32 @p1 $0x1  }
0x15: {  	[smem:$0x3FB0] =	sst s0;
	s0 =	simm.s32 @!p2 $0x0  }
0x16: {  	s3 =	sld [smem:$0x3FDB];
	s0 =	simm.s32 @p2 $0x1  }
0x17: {  	s4 =	simm.s32 $0x1BF5;
	[smem:$0x3FB2] =	sst s0  }
0x18: {  	s0 =	sld [smem:$0x3F95];
	_ =	swait.ge [sflag:s4], $0x0  }
0x19: {  	s7 =	sld [smem:$0x3F96]  }
0x1a: {  	s8 =	sadd.s32 $0xFFFFE003, lr  }
0x1b: {  	s9 =	sadd.s32 $0xFFFFFEF7, lr;
	s5 =	simm.s32 $0xFFFFFFFF;
	p2 =	slt.u32 s8, $0xFFFFF086  }
0x1c: {  	p1 =	slt.u32 s9, $0xF7A;
	s5 =	simm.s32 @!p2 $0x0  }
0x1d: {  	s5 =	simm.s32 @p1 $0x1;
	p0 =	seq.s32 s7, s2  }
0x1e: {  	s7 =	smul.u32 @!p0 $0xF7A, s2;
	p2 =	seq.s32 @!p0 s5, $0x0  }
0x1f: {  	s9 =	smul.u32 $0xF7A, s1;
	s8 =	simm.s32 @!p0 $0x1BF5;
	p2 =	por !p2, p0  }
0x20: {  	[sflag:s8] =	ssyncset.s32 @!p0 $0xFFFFF086;
	s6 =	sadd.s32 @!p0 s3, s7;
	s7 =	simm.s32 @!p0 $0x108  }
0x21: {  	s3 =	sadd.s32 s3, s9;
	s6 =	sadd.s32 @!p0 $0x88, s6;
	s7 =	simm.s32 @p2 $0x1082  }
0x22: {  	[simem:s7], [sflag:s8] =	dma.local @!p0 [hbm:s6], $0xF7A  }
0x23: {  	s9 =	sor.u32 $0xD0000000, s2;
	s6 =	simm.s32 $0x108;
	_ =	swait.ge @!p0 [sflag:s8], $0x0  }
0x24: {  	s3 =	sadd.s32 $0x88, s3;
	s6 =	simm.s32 @!p1 $0x1082;
	[sflag:s4] =	ssyncset.s32 $0xFFFFF086  }
0x25: {  	[simem:s6], [sflag:s4] =	dma.local [hbm:s3], $0xF7A  }
0x26: {  	[smem:$0x3F96] =	sst s1;
	(tag) =	ssettag s2;
	_ =	strace s9  }
0x27: {  	s1 =	sld [smem:$0x3FA6]  }
0x28: {  	s2 =	sld [smem:$0x3FA7]  }
0x29: {  	s4 =	sld [smem:$0x3FA9]  }
0x2a: {  	p0 =	seq.s32 s5, $0x0;
	s5 =	sld [smem:$0x3FAA]  }
0x2b: {  	s6 =	sld [smem:$0x3FAB]  }
0x2c: {  	s7 =	sld [smem:$0x3FAC]  }
0x2d: {  	s3 =	simm.s32 $0x108;
	s8 =	sld [smem:$0x3FAD]  }
0x2e: {  	s3 =	simm.s32 @!p0 $0x1082;
	s9 =	sld [smem:$0x3FAE]  }
0x2f: {  	lr =	sadd.s32 s0, s3;
	s0 =	sld [smem:$0x3FA5]  }
0x30: {  	s3 =	sld [smem:$0x3FA8]  }
0x31: {  	[smem:$0x3FB1] =	sst s10  }
0x32: {  	s10 =	sld [smem:$0x3FAF];
	_ =	sdelay $0x3  }
0x33: {  	p0 =	seq.s32 s10, $0x1;
	s10 =	sld [smem:$0x3FB1];
	_ =	sdelay $0x3  }
0x34: {  	[smem:$0x3FB1] =	sst s10  }
0x35: {  	s10 =	sld [smem:$0x3FB0];
	_ =	sdelay $0x3  }
0x36: {  	p1 =	seq.s32 s10, $0x1;
	s10 =	sld [smem:$0x3FB1];
	_ =	sdelay $0x3  }
0x37: {  	[smem:$0x3FB1] =	sst s10  }
0x38: {  	s10 =	sld [smem:$0x3FB2]  }
0x39: {  	_ = 	snop;
	(pc) =	sbr.ind lr, $3  }
0x3a: {  	_ = 	snop  }
0x3b: {  	_ = 	snop  }
0x3c: {  	p2 =	seq.s32 s10, $0x1;
	s10 =	sld [smem:$0x3FB1]  }
0x3d: {  	_ =	shalt  }
0x3e: {  	_ =	shalt  }
0x3f: {  	_ =	shalt  }
0x40: {  	_ =	shalt  }
0x41: {  	_ =	shalt  }
0x42: {  	_ =	shalt  }
0x43: {  	_ =	shalt  }
0x44: {  	_ =	shalt  }
0x45: {  	_ =	shalt  }
0x46: {  	_ =	shalt  }
0x47: {  	_ =	shalt  }
0x48: {  	_ =	shalt  }
0x49: {  	_ =	shalt  }
0x4a: {  	_ =	shalt  }
0x4b: {  	_ =	shalt  }
0x4c: {  	_ =	shalt  }
0x4d: {  	_ =	shalt  }
0x4e: {  	_ =	shalt  }
0x4f: {  	_ =	shalt  }
0x50: {  	_ =	shalt  }
0x51: {  	_ =	shalt  }
0x52: {  	_ =	shalt  }
0x53: {  	_ =	shalt  }
0x54: {  	_ =	shalt  }
0x55: {  	_ =	shalt  }
0x56: {  	_ =	shalt  }
0x57: {  	_ =	shalt  }
0x58: {  	_ =	shalt  }
0x59: {  	_ =	shalt  }
0x5a: {  	_ =	shalt  }
0x5b: {  	_ =	shalt  }
0x5c: {  	_ =	shalt  }
0x5d: {  	_ =	shalt  }
0x5e: {  	_ =	shalt  }
0x5f: {  	_ =	shalt  }
0x60: {  	_ =	shalt  }
0x61: {  	_ =	shalt  }
0x62: {  	_ =	shalt  }
0x63: {  	_ =	shalt  }
0x64: {  	_ =	shalt  }
0x65: {  	_ =	shalt  }
0x66: {  	_ =	shalt  }
0x67: {  	_ =	shalt  }
0x68: {  	_ =	shalt  }
0x69: {  	_ =	shalt  }
0x6a: {  	_ =	shalt  }
0x6b: {  	_ =	shalt  }
0x6c: {  	_ =	shalt  }
0x6d: {  	_ =	shalt  }
0x6e: {  	_ =	shalt  }
0x6f: {  	_ =	shalt  }
0x70: {  	_ =	shalt  }
0x71: {  	_ =	shalt  }
0x72: {  	_ =	shalt  }
0x73: {  	_ =	shalt  }
0x74: {  	_ =	shalt  }
0x75: {  	_ =	shalt  }
0x76: {  	_ =	shalt  }
0x77: {  	_ =	shalt  }
0x78: {  	_ =	shalt  }
0x79: {  	_ =	shalt  }
0x7a: {  	_ =	shalt  }
0x7b: {  	_ =	shalt  }
0x7c: {  	_ =	shalt  }
0x7d: {  	_ =	shalt  }
0x7e: {  	_ =	shalt  }
0x7f: {  	_ =	shalt  }
0x80: {  	_ =	shalt  }
0x81: {  	_ =	shalt  }
0x82: {  	_ =	shalt  }
0x83: {  	_ =	shalt  }
0x84: {  	_ =	shalt  }
0x85: {  	_ =	shalt  }
0x86: {  	_ =	shalt  }
0x87: {  	_ =	shalt  }
.Lfunc_end0:
.L_simem_size_0:
called_computation.2_lowered:
.L_overlay_start_0:
0x88: {  	s2 =	sld [smem:$0x3FD9]  }
0x89: {  	s3 =	sld [smem:$0x3FFE];
	_ =	sdelay $0x1  }
0x8a: {  	s1 =	srdreg.scid  }
0x8b: {  	s0 =	sand.u32 $0x1, s1  }
0x8c: {  	s16 =	sshll.u32 s0, $0xA;
	s2 =	sadd.s32 s3, s2  }
0x8d: {  	s2 =	sadd.s32 s2, s16  }
0x8e: {  	[smem:$0x3FBD] =	sst s2  }
0x8f: {  	_ = 	snop  }
0x90: {  	(tm) =	ssettm $0x1  }
0x91: {  	s17 =	sld [smem:$0x3FFB];
	_ =	sdelay $0x3  }
0x92: {  	_ =	strace s17  }
0x93: {  	s2 =	sld [smem:$0x3FFC];
	_ =	sdelay $0x3  }
0x94: {  	_ =	strace s2  }
0x95: {  	s2 =	sld [smem:$0x3FFD];
	_ =	sdelay $0x3  }
0x96: {  	_ =	strace s2  }
0x97: {  	_ =	strace $0x8FFFFFFF  }
0x98: {  	s18 =	sld [smem:$0x3FDB];
	_ =	sdelay $0x1  }
0x99: {  	s19 =	simm.s32 $_scs_section_size  }
0x9a: {  	s4 =	simm.s32 $_size__tile_overlayer_lowered;
	s5 =	simm.s32 $_tile_overlayer_lowered  }
0x9b: {  	s22 =	simm.s32 $0x1BFF;
	s21 =	sshll.u32 s5, $0x1;
	s2 =	sadd.s32 s19, s18  }
0x9c: {  	s6 =	simm.s32 $0x0;
	s20 =	sshll.u32 s4, $0x1;
	s4 =	sadd.s32 s21, s2  }
0x9d: {  	[timem:s6], [sflag:s22] =	dma.local [hbm:s4], s20  }
0x9e: {  	_ =	swait.ge [sflag:s22], s20  }
0x9f: {  	s3 =	ssub.s32 $0x0, s20;
	[sflag:s22] =	ssyncset.done $0x0  }
0xa0: {  	[sflag:s22] =	ssyncadd.s32 s3;
	_ =	sdelay $0x1  }
0xa1: {  	s23 =	simm.s32 $0x1B8B  }
0xa2: {  	_ =	swait.ge [sflag:s23], $0x1  }
0xa3: {  	[sflag:s23] =	ssyncset.done $0x0  }
0xa4: {  	s25 =	simm.s32 $0x1B8E;
	s24 =	sld [smem:$0x3FFE];
	[sflag:s23] =	ssyncadd.s32 $0xFFFFFFFF  }
0xa5: {  	s26 =	simm.s32 $execute0_lowered;
	[smem:$0x3FD2] =	sst s25  }
0xa6: {  	s4 =	sshll.u32 s26, $0x1;
	_ =	strace $0x8000004C;
	[dreg:$0x1] =	wrdreg $0xFFFFFFFF  }
0xa7: {  	s28 =	simm.s32 $_size_execute0_lowered;
	s2 =	sadd.s32 s2, s4;
	[dreg:$0x0] =	wrdreg $0x0  }
0xa8: {  	s4 =	sshll.u32 s28, $0x1;
	[dreg:$0x2] =	wrdreg s2  }
0xa9: {  	[dreg:$0x3] =	wrdreg s4  }
0xaa: {  	[dreg:$0x4] =	wrdreg $0xC0  }
0xab: {  	_ =	task [dreg:s6], $0x5FFFF  }
0xac: {  	[dreg:$0x1] =	wrdreg $0xFFFFFFFF  }
0xad: {  	[dreg:$0x0] =	wrdreg $0x60  }
0xae: {  	[dreg:$0x2] =	wrdreg s24  }
0xaf: {  	[dreg:$0x3] =	wrdreg $0x90000  }
0xb0: {  	[dreg:$0x4] =	wrdreg $0x9  }
0xb1: {  	_ =	task.clear_ibuf [dreg:s6], $0x5FFFF;
	_ =	strace $0x9000004C  }
0xb2: {  	s29 =	simm.s32 $0x9;
	_ =	strace $0x8000004E  }
0xb3: {  	_ =	swait.ge [sflag:s29], $0x1  }
0xb4: {  	[sflag:s29] =	ssyncadd.s32 $0xFFFFFFFF  }
0xb5: {  	_ =	strace $0x9000004E  }
0xb6: {  	_ =	sfence  }
0xb7: {  	s30 =	sld [smem:$0x0];
	_ =	sdelay $0x2  }
0xb8: {  	s31 =	sshll.u32 s1, $0xD;
	s1 =	sshrl.u32 s1, $0x2  }
0xb9: {  	s3 =	sand.u32 $0x4000, s31;
	s1 =	sadd.s32 s1, s30  }
0xba: {  	s0 =	sor.u32 s3, s0;
	s1 =	sshll.u32 s1, $0x11  }
0xbb: {  	s0 =	sor.u32 s1, s0  }
0xbc: {  	s0 =	sadd.s32 $0x8F2B, s0  }
0xbd: {  	[sflag:s0] =	ssyncadd.remote.s32 $0x1  }
0xbe: {  	_ =	sfence.sel $0xFFFF  }
0xbf: {  	[dreg:$0x0] =	wrdreg $0xFFFFFFFF;
	(pc) =	sbr.abs _section_cstart, $3  }
0xc0: {  	[dreg:$0x1] =	wrdreg $0xFFFFFFFF  }
0xc1: {  	_ =	task.clear_ibuf [dreg:s6], $0x2FFFF;
	_ =	strace $0x9FFFFFFF  }
0xc2: {  	(tm) =	ssettm $0x7FFFFFFF  }
0xc3: {  	_ =	shalt  }
tec
execute0_lowered:
.L_overlay_start_1:
0x0: {  	(tag) =	ssettag $0x1  }
0x1: {  	s1 =	srdreg.scid  }
0x2: {  	s0 =	stileid.u32;
	s7 =	rddreg [dreg:$0x0]  }
0x3: {  	s2 =	rddreg [dreg:$0x1];
	s3 =	simm.s32 $0x0;
	s14 =	simm.s32 $0x80  }
0x4: {  	s15 =	simm.s32 $0x5000;
	s16 =	simm.s32 $0x1;
	s17 =	simm.s32 $0x0  }
0x5: {  	s6 =	sand.u32 $0x1, s1;
	s26 =	sshll.u32 s0, $0x1;
	s9 =	smul.u32 $0x13C00, s0  }
0x6: {  	[smem:$0x7FF] =	sst s3;
	s4 =	sadd.s32 $0x19400, s7;
	s28 =	smul.u32 $0x4F000, s0  }
0x7: {  	s31 =	sshll.u32 s0, $0x6;
	s1 =	sor.u32 s6, s26;
	s8 =	smul.u32 $0x13C000, s6  }
0x8: {  	s6 =	ssub.s32 $0x2, s6;
	s5 =	smul.u32 $0x500, s1;
	s1 =	rddreg [dreg:$0x2]  }
0x9: {  	_ =	strace $0x8000004D;
	s29 =	sshrl.u32 s6, $0x1;
	s30 =	sshrl.u32 s28, $0x2  }
0xa: {  	s8 =	sadd.s32 s9, s8;
	s12 =	ssub.s32 s6, s29;
	s13 =	sadd.s32 s30, s2  }
0xb: {  	s6 =	sor.u32 $0x1C02, s31;
	s10 =	sadd.s32 s5, s7;
	s8 =	sshrl.u32 s8, $0x3  }
0xc: {  	s5 =	sadd.s32 $0x16C00, s7;
	s11 =	sadd.s32 s8, s7;
	s7 =	sadd.s32 $0xCC00, s10  }
0xd: {  	s8 =	sadd.s32 $0x2C00, s10;
	s10 =	smax.u32 s12, $0x1;
	s12 =	simm.s32 $0x2  }
0xe: {  	s9 =	sadd.s32 $0x40600, s11;
	s11 =	sshrl.u32 s13, $0x3;
	s13 =	simm.s32 $0x2800  }
.LBB2_1:
0xf: {  	[spmem:s11], [sflag:s6] =	dma.local [hbm:s5], $0x2780  }
0x10: {  	_ =	swait.ge [sflag:s12], $0x2780  }
0x11: {  	[sflag:s12] =	ssyncset.done $0x0  }
0x12: {  	[sflag:s12] =	ssyncadd.s32 $0xFFFFD880  }
0x13: {  	[tilespmem:s3], [sflag:$0x2] =	stream.linear.gather [hbm4b:s7+s3], $0x2780, $0x38;
	[tilespmem:$0x1CC00] =	vst v63  }
0x14: {  	_ =	swait.ge [sflag:s12], $0x2780  }
0x15: {  	[sflag:s12] =	ssyncset.done $0x0  }
0x16: {  	[sflag:s12] =	ssyncadd.s32 $0xFFFFD880  }
0x17: {  	[tilespmem:s13], [sflag:$0x2] =	stream.linear.gather [hbm4b:s8+s3], $0x2780, $0x38;
	[tilespmem:$0x1CC00] =	vst v63  }
0x18: {  	_ =	swait.ge [sflag:s12], $0x2780  }
0x19: {  	[sflag:s12] =	ssyncset.done $0x0  }
0x1a: {  	[sflag:s12] =	ssyncadd.s32 $0xFFFFD880  }
0x1b: {  	s18 =	simm.s32 $0x0;
	[bflag:$0x0] =	sbarrier.arrive $0xFFFF  }
0x1c: {  	[tilespmem:s15], [sflag:$0x1] =	stream.indirect.gather [hbm4b:s4+s14], $0x80, s18, s14, $0xb8;
	[tilespmem:$0x1CC00] =	vst v63  }
0x1d: {  	_ =	swait.ge [sflag:s16], $0x4000  }
0x1e: {  	[sflag:s16] =	ssyncset.done $0x0  }
0x1f: {  	s31 =	simm.s32 $0x2800;
	[sflag:s16] =	ssyncadd.s32 $0xFFFFC000  }
0x20: {  	[spmem:s2] =	stream.indirect.scatter.add.f32 [tilespmem:s15], [sflag:$0x2], $0x80, s31, s14, $0xb8;
	[tilespmem:$0x1CC00] =	vst v63  }
0x21: {  	_ =	swait.ge [sflag:s12], $0x4000  }
0x22: {  	s19 =	simm.s32 $0x400;
	s18 =	simm.s32 $0x200;
	[sflag:s12] =	ssyncset.done $0x0  }
.LBB2_2:
0x23: {  	s20 =	sshra.s32 s18, $0x2  }
0x24: {  	[sflag:s12] =	ssyncadd.s32 $0xFFFFC000;
	s18 =	smov.u32 s19;
	s21 =	sadd.s32 $0x200, s19  }
0x25: {  	[tilespmem:s15], [sflag:$0x1] =	stream.indirect.gather [hbm4b:s4+s14], $0x80, s20, s14, $0xb8;
	[tilespmem:$0x1CC00] =	vst v63  }
0x26: {  	p0 =	sne.s32 s19, $0x9C00;
	_ =	swait.ge [sflag:s16], $0x4000  }
.Ltmp0:
0x27: {  	[sflag:s16] =	ssyncset.done $0x0;
	(pc) =	sbr.rel @p0 .LBB2_2-.Ltmp0, $4  }
0x28: {  	s19 =	sadd.s32 $0x2800, s20;
	[sflag:s16] =	ssyncadd.s32 $0xFFFFC000  }
0x29: {  	[spmem:s2] =	stream.indirect.scatter.add.f32 [tilespmem:s15], [sflag:$0x2], $0x80, s19, s14, $0xb8;
	[tilespmem:$0x1CC00] =	vst v63  }
0x2a: {  	_ =	swait.ge [sflag:s12], $0x4000  }
0x2b: {  	s19 =	smov.u32 s21;
	[sflag:s12] =	ssyncset.done $0x0  }
0x2c: {  	s18 =	sshra.s32 s18, $0x2;
	[sflag:s12] =	ssyncadd.s32 $0xFFFFC000  }
0x2d: {  	[tilespmem:s15], [sflag:$0x1] =	stream.indirect.gather [hbm4b:s4+s14], $0x80, s18, s14, $0xb8;
	[tilespmem:$0x1CC00] =	vst v63  }
0x2e: {  	_ =	swait.ge [sflag:s16], $0x4000  }
0x2f: {  	[sflag:s16] =	ssyncset.done $0x0  }
0x30: {  	s18 =	sadd.s32 $0x2800, s18;
	[sflag:s16] =	ssyncadd.s32 $0xFFFFC000  }
0x31: {  	[spmem:s2] =	stream.indirect.scatter.add.f32 [tilespmem:s15], [sflag:$0x2], $0x80, s18, s14, $0xb8;
	[tilespmem:$0x1CC00] =	vst v63  }
0x32: {  	_ =	swait.ge [sflag:s12], $0x4000  }
0x33: {  	s17 =	sadd.s32 $0x1, s17;
	[sflag:s12] =	ssyncset.done $0x0  }
0x34: {  	p0 =	sne.s32 s17, s10;
	[sflag:s12] =	ssyncadd.s32 $0xFFFFC000  }
.Ltmp1:
0x35: {  	[bflag:$0x0] =	sbarrier.arrive $0xFFFF;
	(pc) =	sbr.rel @p0 .LBB2_1-.Ltmp1, $4  }
0x36: {  	[hbm:s9], [sflag:s6] =	dma.local [spmem:s11], $0x2780  }
0x37: {  	_ =	swait.ge [sflag:s12], $0x2780  }
0x38: {  	[sflag:s12] =	ssyncset.done $0x0  }
0x39: {  	[sflag:s12] =	ssyncadd.s32 $0xFFFFD880  }
0x3a: {  	_ =	sfence.sel $0x180000  }
0x3b: {  	[bflag:$0x0] =	sbarrier.arrive $0xFFFF  }
0x3c: {  	p0 =	sne.s32 s0, $0x0;
	_ =	strace $0x9000004D  }
0x3d: {  	s0 =	sadd.s32 @!p0 $0x100000, s1;
	[bflag:$0x2] =	sbarrier.arrive $0xFFFF  }
0x3e: {  	[sflag:s0] =	ssyncadd.tile.s32 @!p0 $0x1;
	_ =	shalt  }
.Lfunc_end2:
_tile_overlayer_lowered:
.L_overlay_start_2:
0x3f: {  	(tag) =	ssettag $0x2  }
0x40: {  	s0 =	rddreg [dreg:$0x0];
	s2 =	stileid.u32  }
0x41: {  	s1 =	rddreg [dreg:$0x1];
	p0 =	sne.s32 s2, $0x0  }
0x42: {  	s3 =	rddreg [dreg:$0x2];
	[bflag:$0x3] =	sbarrier.arrive $0xFFFF;
	s2 =	simm.s32 @!p0 $0x1C02  }
0x43: {  	[timem:s3], [sflag:s2] =	dma.local @!p0 [hbm:s0], s1  }
0x44: {  	s0 =	simm.s32 @!p0 $0x2  }
0x45: {  	_ =	swait.ge @!p0 [sflag:s0], s1  }
0x46: {  	s1 =	ssub.s32 @!p0 $0x0, s1;
	[sflag:s0] =	ssyncset.done @!p0 $0x0  }
0x47: {  	[sflag:s0] =	ssyncadd.s32 @!p0 s1  }
0x48: {  	[bflag:$0x3] =	sbarrier.arrive $0xFFFF  }
0x49: {  	_ =	shalt  }

// kernel: kernel.7.cloned.1.call-start
scs
__scs_entry_jumppad:
0x0: {  	(pc) =	sbr.rel $0x88, $3  }
0x1: {  	(tag) =	ssettag $0x0;
	lr =	simm.s32 $0x1  }
0x2: {  	[smem:$0x3F96] =	sst lr;
	_ =	strace $0xD0000000  }
0x3: {  	_ = 	snop  }
0x4: {  	_ = 	snop  }
0x5: {  	_ = 	snop  }
0x6: {  	_ = 	snop  }
0x7: {  	_ = 	snop  }
__scs_overlays_trampoline_lowered:
0x8: {  	[smem:$0x3FA5] =	sst s0  }
0x9: {  	[smem:$0x3FA6] =	sst s1  }
0xa: {  	[smem:$0x3FA7] =	sst s2  }
0xb: {  	[smem:$0x3FA8] =	sst s3  }
0xc: {  	[smem:$0x3FA9] =	sst s4  }
0xd: {  	[smem:$0x3FAA] =	sst s5  }
0xe: {  	[smem:$0x3FAB] =	sst s6  }
0xf: {  	[smem:$0x3FAC] =	sst s7  }
0x10: {  	[smem:$0x3FAD] =	sst s8  }
0x11: {  	[smem:$0x3FAE] =	sst s9;
	s0 =	simm.s32 @!p0 $0x0  }
0x12: {  	s1 =	sld [smem:$0x3F94];
	s0 =	simm.s32 @p0 $0x1  }
0x13: {  	[smem:$0x3FAF] =	sst s0;
	s0 =	simm.s32 @!p1 $0x0  }
0x14: {  	s2 =	sld [smem:$0x3F93];
	s0 =	simm.s32 @p1 $0x1  }
0x15: {  	[smem:$0x3FB0] =	sst s0;
	s0 =	simm.s32 @!p2 $0x0  }
0x16: {  	s3 =	sld [smem:$0x3FDB];
	s0 =	simm.s32 @p2 $0x1  }
0x17: {  	s4 =	simm.s32 $0x1BF5;
	[smem:$0x3FB2] =	sst s0  }
0x18: {  	s0 =	sld [smem:$0x3F95];
	_ =	swait.ge [sflag:s4], $0x0  }
0x19: {  	s7 =	sld [smem:$0x3F96]  }
0x1a: {  	s8 =	sadd.s32 $0xFFFFE003, lr  }
0x1b: {  	s9 =	sadd.s32 $0xFFFFFEF7, lr;
	s5 =	simm.s32 $0xFFFFFFFF;
	p2 =	slt.u32 s8, $0xFFFFF086  }
0x1c: {  	p1 =	slt.u32 s9, $0xF7A;
	s5 =	simm.s32 @!p2 $0x0  }
0x1d: {  	s5 =	simm.s32 @p1 $0x1;
	p0 =	seq.s32 s7, s2  }
0x1e: {  	s7 =	smul.u32 @!p0 $0xF7A, s2;
	p2 =	seq.s32 @!p0 s5, $0x0  }
0x1f: {  	s9 =	smul.u32 $0xF7A, s1;
	s8 =	simm.s32 @!p0 $0x1BF5;
	p2 =	por !p2, p0  }
0x20: {  	[sflag:s8] =	ssyncset.s32 @!p0 $0xFFFFF086;
	s6 =	sadd.s32 @!p0 s3, s7;
	s7 =	simm.s32 @!p0 $0x108  }
0x21: {  	s3 =	sadd.s32 s3, s9;
	s6 =	sadd.s32 @!p0 $0x88, s6;
	s7 =	simm.s32 @p2 $0x1082  }
0x22: {  	[simem:s7], [sflag:s8] =	dma.local @!p0 [hbm:s6], $0xF7A  }
0x23: {  	s9 =	sor.u32 $0xD0000000, s2;
	s6 =	simm.s32 $0x108;
	_ =	swait.ge @!p0 [sflag:s8], $0x0  }
0x24: {  	s3 =	sadd.s32 $0x88, s3;
	s6 =	simm.s32 @!p1 $0x1082;
	[sflag:s4] =	ssyncset.s32 $0xFFFFF086  }
0x25: {  	[simem:s6], [sflag:s4] =	dma.local [hbm:s3], $0xF7A  }
0x26: {  	[smem:$0x3F96] =	sst s1;
	(tag) =	ssettag s2;
	_ =	strace s9  }
0x27: {  	s1 =	sld [smem:$0x3FA6]  }
0x28: {  	s2 =	sld [smem:$0x3FA7]  }
0x29: {  	s4 =	sld [smem:$0x3FA9]  }
0x2a: {  	p0 =	seq.s32 s5, $0x0;
	s5 =	sld [smem:$0x3FAA]  }
0x2b: {  	s6 =	sld [smem:$0x3FAB]  }
0x2c: {  	s7 =	sld [smem:$0x3FAC]  }
0x2d: {  	s3 =	simm.s32 $0x108;
	s8 =	sld [smem:$0x3FAD]  }
0x2e: {  	s3 =	simm.s32 @!p0 $0x1082;
	s9 =	sld [smem:$0x3FAE]  }
0x2f: {  	lr =	sadd.s32 s0, s3;
	s0 =	sld [smem:$0x3FA5]  }
0x30: {  	s3 =	sld [smem:$0x3FA8]  }
0x31: {  	[smem:$0x3FB1] =	sst s10  }
0x32: {  	s10 =	sld [smem:$0x3FAF];
	_ =	sdelay $0x3  }
0x33: {  	p0 =	seq.s32 s10, $0x1;
	s10 =	sld [smem:$0x3FB1];
	_ =	sdelay $0x3  }
0x34: {  	[smem:$0x3FB1] =	sst s10  }
0x35: {  	s10 =	sld [smem:$0x3FB0];
	_ =	sdelay $0x3  }
0x36: {  	p1 =	seq.s32 s10, $0x1;
	s10 =	sld [smem:$0x3FB1];
	_ =	sdelay $0x3  }
0x37: {  	[smem:$0x3FB1] =	sst s10  }
0x38: {  	s10 =	sld [smem:$0x3FB2]  }
0x39: {  	_ = 	snop;
	(pc) =	sbr.ind lr, $3  }
0x3a: {  	_ = 	snop  }
0x3b: {  	_ = 	snop  }
0x3c: {  	p2 =	seq.s32 s10, $0x1;
	s10 =	sld [smem:$0x3FB1]  }
0x3d: {  	_ =	shalt  }
0x3e: {  	_ =	shalt  }
0x3f: {  	_ =	shalt  }
0x40: {  	_ =	shalt  }
0x41: {  	_ =	shalt  }
0x42: {  	_ =	shalt  }
0x43: {  	_ =	shalt  }
0x44: {  	_ =	shalt  }
0x45: {  	_ =	shalt  }
0x46: {  	_ =	shalt  }
0x47: {  	_ =	shalt  }
0x48: {  	_ =	shalt  }
0x49: {  	_ =	shalt  }
0x4a: {  	_ =	shalt  }
0x4b: {  	_ =	shalt  }
0x4c: {  	_ =	shalt  }
0x4d: {  	_ =	shalt  }
0x4e: {  	_ =	shalt  }
0x4f: {  	_ =	shalt  }
0x50: {  	_ =	shalt  }
0x51: {  	_ =	shalt  }
0x52: {  	_ =	shalt  }
0x53: {  	_ =	shalt  }
0x54: {  	_ =	shalt  }
0x55: {  	_ =	shalt  }
0x56: {  	_ =	shalt  }
0x57: {  	_ =	shalt  }
0x58: {  	_ =	shalt  }
0x59: {  	_ =	shalt  }
0x5a: {  	_ =	shalt  }
0x5b: {  	_ =	shalt  }
0x5c: {  	_ =	shalt  }
0x5d: {  	_ =	shalt  }
0x5e: {  	_ =	shalt  }
0x5f: {  	_ =	shalt  }
0x60: {  	_ =	shalt  }
0x61: {  	_ =	shalt  }
0x62: {  	_ =	shalt  }
0x63: {  	_ =	shalt  }
0x64: {  	_ =	shalt  }
0x65: {  	_ =	shalt  }
0x66: {  	_ =	shalt  }
0x67: {  	_ =	shalt  }
0x68: {  	_ =	shalt  }
0x69: {  	_ =	shalt  }
0x6a: {  	_ =	shalt  }
0x6b: {  	_ =	shalt  }
0x6c: {  	_ =	shalt  }
0x6d: {  	_ =	shalt  }
0x6e: {  	_ =	shalt  }
0x6f: {  	_ =	shalt  }
0x70: {  	_ =	shalt  }
0x71: {  	_ =	shalt  }
0x72: {  	_ =	shalt  }
0x73: {  	_ =	shalt  }
0x74: {  	_ =	shalt  }
0x75: {  	_ =	shalt  }
0x76: {  	_ =	shalt  }
0x77: {  	_ =	shalt  }
0x78: {  	_ =	shalt  }
0x79: {  	_ =	shalt  }
0x7a: {  	_ =	shalt  }
0x7b: {  	_ =	shalt  }
0x7c: {  	_ =	shalt  }
0x7d: {  	_ =	shalt  }
0x7e: {  	_ =	shalt  }
0x7f: {  	_ =	shalt  }
0x80: {  	_ =	shalt  }
0x81: {  	_ =	shalt  }
0x82: {  	_ =	shalt  }
0x83: {  	_ =	shalt  }
0x84: {  	_ =	shalt  }
0x85: {  	_ =	shalt  }
0x86: {  	_ =	shalt  }
0x87: {  	_ =	shalt  }
.Lfunc_end0:
.L_simem_size_0:
called_computation_lowered:
.L_overlay_start_0:
0x88: {  	s2 =	sld [smem:$0x3FD9]  }
0x89: {  	s3 =	sld [smem:$0x3FFE];
	_ =	sdelay $0x1  }
0x8a: {  	s1 =	srdreg.scid  }
0x8b: {  	s0 =	sand.u32 $0x1, s1  }
0x8c: {  	s17 =	sshll.u32 s0, $0xA;
	s2 =	sadd.s32 s3, s2  }
0x8d: {  	s2 =	sadd.s32 s2, s17  }
0x8e: {  	[smem:$0x3FBD] =	sst s2  }
0x8f: {  	_ = 	snop  }
0x90: {  	(tm) =	ssettm $0x1  }
0x91: {  	s18 =	sld [smem:$0x3FFB];
	_ =	sdelay $0x3  }
0x92: {  	_ =	strace s18  }
0x93: {  	s2 =	sld [smem:$0x3FFC];
	_ =	sdelay $0x3  }
0x94: {  	_ =	strace s2  }
0x95: {  	s2 =	sld [smem:$0x3FFD];
	_ =	sdelay $0x3  }
0x96: {  	_ =	strace s2  }
0x97: {  	_ =	strace $0x8FFFFFFF  }
0x98: {  	s19 =	sld [smem:$0x3FDB];
	_ =	sdelay $0x1  }
0x99: {  	s20 =	simm.s32 $_scs_section_size  }
0x9a: {  	s4 =	simm.s32 $_size__tile_overlayer_lowered;
	s5 =	simm.s32 $_tile_overlayer_lowered  }
0x9b: {  	s6 =	simm.s32 $0x1BFF;
	s21 =	sshll.u32 s5, $0x1;
	s3 =	sadd.s32 s20, s19  }
0x9c: {  	s22 =	simm.s32 $0x0;
	s4 =	sshll.u32 s4, $0x1;
	s5 =	sadd.s32 s21, s3  }
0x9d: {  	[timem:s22], [sflag:s6] =	dma.local [hbm:s5], s4  }
0x9e: {  	_ =	swait.ge [sflag:s6], s4  }
0x9f: {  	s4 =	ssub.s32 $0x0, s4;
	[sflag:s6] =	ssyncset.done $0x0  }
0xa0: {  	[sflag:s6] =	ssyncadd.s32 s4;
	_ =	sdelay $0x1  }
0xa1: {  	s23 =	simm.s32 $0x1B8B  }
0xa2: {  	_ =	swait.ge [sflag:s23], $0x1  }
0xa3: {  	[sflag:s23] =	ssyncset.done $0x0  }
0xa4: {  	[sflag:s23] =	ssyncadd.s32 $0xFFFFFFFF  }
0xa5: {  	s4 =	sld [smem:$0x0]  }
0xa6: {  	s5 =	sand.u32 $0xFFFFFFFE, s1  }
0xa7: {  	p0 =	sne.s32 s1, s5  }
0xa8: {  	s5 =	sshll.u32 @p0 s5, $0xE  }
0xa9: {  	s5 =	sadd.s32 @p0 $0x11B8D, s5;
	s6 =	sshll.u32 @p0 s4, $0x11  }
0xaa: {  	s5 =	sor.u32 @p0 s6, s5  }
0xab: {  	[sflag:s5] =	ssyncadd.remote.s32 @p0 $0x1;
	_ =	sdelay $0x1  }
0xac: {  	s5 =	simm.s32 @p0 $0x1B8D  }
0xad: {  	_ =	swait.eq @p0 [sflag:s5], $0x1  }
0xae: {  	[sflag:s5] =	ssyncadd.s32 @p0 $0xFFFFFFFF  }
0xaf: {  	s6 =	sshll.u32 @!p0 s1, $0xE  }
0xb0: {  	s6 =	sor.u32 @!p0 $0x4000, s6;
	s5 =	simm.s32 @!p0 $0x1B8D  }
0xb1: {  	s4 =	sshll.u32 @!p0 s4, $0x11;
	s6 =	sadd.s32 @!p0 $0x11B8D, s6;
	_ =	swait.eq @!p0 [sflag:s5], $0x1  }
0xb2: {  	s4 =	sor.u32 @!p0 s4, s6;
	[sflag:s5] =	ssyncadd.s32 @!p0 $0xFFFFFFFF  }
0xb3: {  	s25 =	simm.s32 $0x1B8E;
	s24 =	sld [smem:$0x3FFE];
	[sflag:s4] =	ssyncadd.remote.s32 @!p0 $0x1  }
0xb4: {  	s26 =	simm.s32 $execute0_lowered;
	[smem:$0x3FD2] =	sst s25  }
0xb5: {  	s5 =	sshll.u32 s26, $0x1;
	_ =	strace $0x80000049;
	[dreg:$0x1] =	wrdreg $0xFFFFFFFF  }
0xb6: {  	s28 =	simm.s32 $_size_execute0_lowered;
	s3 =	sadd.s32 s3, s5;
	[dreg:$0x0] =	wrdreg $0x0  }
0xb7: {  	s5 =	sshll.u32 s28, $0x1;
	[dreg:$0x2] =	wrdreg s3  }
0xb8: {  	[dreg:$0x3] =	wrdreg s5  }
0xb9: {  	[dreg:$0x4] =	wrdreg $0xC0  }
0xba: {  	_ =	task [dreg:s22], $0x5FFFF  }
0xbb: {  	[dreg:$0x1] =	wrdreg $0xFFFFFFFF  }
0xbc: {  	[dreg:$0x0] =	wrdreg $0x60  }
0xbd: {  	[dreg:$0x2] =	wrdreg s24  }
0xbe: {  	[dreg:$0x3] =	wrdreg $0x68000  }
0xbf: {  	[dreg:$0x4] =	wrdreg $0x9  }
0xc0: {  	_ =	task.clear_ibuf [dreg:s22], $0x5FFFF;
	_ =	strace $0x90000049  }
0xc1: {  	s29 =	simm.s32 $0x9;
	_ =	strace $0x8000004B  }
0xc2: {  	_ =	swait.ge [sflag:s29], $0x1  }
0xc3: {  	[sflag:s29] =	ssyncadd.s32 $0xFFFFFFFF  }
0xc4: {  	_ =	strace $0x9000004B  }
0xc5: {  	_ =	sfence  }
0xc6: {  	s30 =	sld [smem:$0x0];
	_ =	sdelay $0x2  }
0xc7: {  	s31 =	sshll.u32 s1, $0xD;
	s1 =	sshrl.u32 s1, $0x2  }
0xc8: {  	s4 =	sand.u32 $0x4000, s31;
	s1 =	sadd.s32 s1, s30  }
0xc9: {  	s0 =	sor.u32 s4, s0;
	s1 =	sshll.u32 s1, $0x11  }
0xca: {  	s0 =	sor.u32 s1, s0  }
0xcb: {  	s0 =	sadd.s32 $0x8F2B, s0  }
0xcc: {  	[sflag:s0] =	ssyncadd.remote.s32 $0x1  }
0xcd: {  	_ =	sfence.sel $0xFFFF  }
0xce: {  	[dreg:$0x0] =	wrdreg $0xFFFFFFFF;
	(pc) =	sbr.abs _section_cstart, $3  }
0xcf: {  	[dreg:$0x1] =	wrdreg $0xFFFFFFFF  }
0xd0: {  	_ =	task.clear_ibuf [dreg:s22], $0x2FFFF;
	_ =	strace $0x9FFFFFFF  }
0xd1: {  	(tm) =	ssettm $0x7FFFFFFF  }
tec
execute0_lowered:
.L_overlay_start_1:
0x0: {  	(tag) =	ssettag $0x1  }
0x1: {  	s1 =	srdreg.scid  }
0x2: {  	s0 =	stileid.u32;
	s7 =	rddreg [dreg:$0x0]  }
0x3: {  	s2 =	rddreg [dreg:$0x1];
	s3 =	simm.s32 $0x0;
	s13 =	simm.s32 $0x80  }
0x4: {  	s14 =	simm.s32 $0x0;
	s6 =	sand.u32 $0x1, s1;
	s9 =	smul.u32 $0x13C00, s0  }
0x5: {  	s28 =	sshll.u32 s0, $0x1;
	[smem:$0x7FF] =	sst s3;
	s29 =	smul.u32 $0x4F000, s0  }
0x6: {  	s4 =	sadd.s32 $0x68400, s7;
	s1 =	sor.u32 s6, s28;
	s8 =	smul.u32 $0x13C000, s6  }
0x7: {  	s31 =	sshll.u32 s0, $0x6;
	s6 =	ssub.s32 $0x2, s6;
	s5 =	smul.u32 $0x500, s1  }
0x8: {  	s1 =	rddreg [dreg:$0x2];
	_ =	strace $0x8000004A;
	s30 =	sshrl.u32 s6, $0x1  }
0x9: {  	s8 =	sadd.s32 s9, s8;
	s9 =	sshrl.u32 s29, $0x2;
	s11 =	ssub.s32 s6, s30  }
0xa: {  	s6 =	sor.u32 $0x1C01, s31;
	s10 =	sadd.s32 s5, s7;
	s5 =	sadd.s32 $0x16C00, s7  }
0xb: {  	s8 =	sshrl.u32 s8, $0x3;
	s12 =	sadd.s32 s9, s2;
	s9 =	smax.u32 s11, $0x1  }
0xc: {  	s11 =	simm.s32 $0x1;
	s8 =	sadd.s32 s8, s7;
	s7 =	sadd.s32 $0x2C00, s10  }
0xd: {  	s10 =	sshrl.u32 s12, $0x3;
	s12 =	simm.s32 $0x2800;
	s8 =	sadd.s32 $0x68C00, s8  }
.LBB2_1:
0xe: {  	[spmem:s10], [sflag:s6] =	dma.local [hbm:s5], $0x2780  }
0xf: {  	_ =	swait.ge [sflag:s11], $0x2780  }
0x10: {  	[sflag:s11] =	ssyncset.done $0x0  }
0x11: {  	[sflag:s11] =	ssyncadd.s32 $0xFFFFD880  }
0x12: {  	[tilespmem:s12], [sflag:$0x1] =	stream.linear.gather [hbm4b:s4+s3], $0x4000, $0x38;
	[tilespmem:$0x1A400] =	vst v63  }
0x13: {  	_ =	swait.ge [sflag:s11], $0x4000  }
0x14: {  	[sflag:s11] =	ssyncset.done $0x0  }
0x15: {  	[sflag:s11] =	ssyncadd.s32 $0xFFFFC000  }
0x16: {  	[tilespmem:s3], [sflag:$0x1] =	stream.linear.gather [hbm4b:s7+s3], $0x2780, $0x38;
	[tilespmem:$0x1A400] =	vst v63  }
0x17: {  	_ =	swait.ge [sflag:s11], $0x2780  }
0x18: {  	[sflag:s11] =	ssyncset.done $0x0  }
0x19: {  	[sflag:s11] =	ssyncadd.s32 $0xFFFFD880  }
0x1a: {  	s15 =	simm.s32 $0x0;
	[bflag:$0x0] =	sbarrier.arrive $0xFFFF  }
0x1b: {  	[spmem:s2] =	stream.indirect.scatter.add.f32 [tilespmem:s12], [sflag:$0x1], $0x80, s15, s13, $0xb8;
	[tilespmem:$0x1A400] =	vst v63  }
0x1c: {  	_ =	swait.ge [sflag:s11], $0x4000  }
0x1d: {  	s15 =	simm.s32 $0x200;
	[sflag:s11] =	ssyncset.done $0x0  }
.LBB2_2:
0x1e: {  	s16 =	sshra.s32 s15, $0x2;
	[sflag:s11] =	ssyncadd.s32 $0xFFFFC000;
	p0 =	sne.s32 s15, $0x9C00  }
0x1f: {  	[spmem:s2] =	stream.indirect.scatter.add.f32 [tilespmem:s12], [sflag:$0x1], $0x80, s16, s13, $0xb8;
	[tilespmem:$0x1A400] =	vst v63  }
.Ltmp0:
0x20: {  	_ = 	snop;
	(pc) =	sbr.rel @p0 .LBB2_2-.Ltmp0, $4  }
0x21: {  	_ = 	snop  }
0x22: {  	s15 =	sadd.s32 $0x200, s15  }
0x23: {  	_ =	swait.ge [sflag:s11], $0x4000  }
0x24: {  	[sflag:s11] =	ssyncset.done $0x0  }
0x25: {  	s14 =	sadd.s32 $0x1, s14  }
0x26: {  	[sflag:s11] =	ssyncadd.s32 $0xFFFFC000;
	p0 =	sne.s32 s14, s9  }
.Ltmp1:
0x27: {  	[bflag:$0x0] =	sbarrier.arrive $0xFFFF;
	(pc) =	sbr.rel @p0 .LBB2_1-.Ltmp1, $4  }
0x28: {  	[hbm:s8], [sflag:s6] =	dma.local [spmem:s10], $0x2780  }
0x29: {  	_ =	swait.ge [sflag:s11], $0x2780  }
0x2a: {  	[sflag:s11] =	ssyncset.done $0x0  }
0x2b: {  	[sflag:s11] =	ssyncadd.s32 $0xFFFFD880  }
0x2c: {  	_ =	sfence.sel $0x180000  }
0x2d: {  	[bflag:$0x0] =	sbarrier.arrive $0xFFFF  }
0x2e: {  	p0 =	sne.s32 s0, $0x0;
	_ =	strace $0x9000004A  }
0x2f: {  	s0 =	sadd.s32 @!p0 $0x100000, s1;
	[bflag:$0x2] =	sbarrier.arrive $0xFFFF  }
0x30: {  	[sflag:s0] =	ssyncadd.tile.s32 @!p0 $0x1;
	_ =	shalt  }
.Lfunc_end2:
_tile_overlayer_lowered:
.L_overlay_start_2:
0x31: {  	(tag) =	ssettag $0x2  }
0x32: {  	s0 =	rddreg [dreg:$0x0];
	s2 =	stileid.u32  }
0x33: {  	s1 =	rddreg [dreg:$0x1];
	p0 =	sne.s32 s2, $0x0  }
0x34: {  	s3 =	rddreg [dreg:$0x2];
	[bflag:$0x3] =	sbarrier.arrive $0xFFFF;
	s2 =	simm.s32 @!p0 $0x1C01  }
0x35: {  	[timem:s3], [sflag:s2] =	dma.local @!p0 [hbm:s0], s1  }
0x36: {  	s0 =	simm.s32 @!p0 $0x1  }
0x37: {  	_ =	swait.ge @!p0 [sflag:s0], s1  }
0x38: {  	s1 =	ssub.s32 @!p0 $0x0, s1;
	[sflag:s0] =	ssyncset.done @!p0 $0x0  }
0x39: {  	[sflag:s0] =	ssyncadd.s32 @!p0 s1  }
0x3a: {  	[bflag:$0x3] =	sbarrier.arrive $0xFFFF  }
0x3b: {  	_ =	shalt  }

</sc_bundles>
